<compile_context>
chip_gen: v7x
topology: tpu7x:2x2x1
jax: 0.10.2.dev20260603
libtpu: 0.0.44.dev20260713+nightly
codegen_flags: <defaults>
</compile_context>

<pallas_src>
import functools

import jax
import jax.numpy as jnp
from jax import lax
from jax.experimental import pallas as pl
from jax.experimental.pallas import tpu as pltpu
from jax.experimental.pallas import tpu_sc as plsc

EMBED_DIM = 128
LANES = 16
CHUNK = 64
NBUF = 4


@functools.lru_cache(maxsize=None)
def _build_sc_kernel(batch: int, num_classes: int, dim: int):
    info = plsc.get_sparse_core_info()
    nc, ns = info.num_cores, info.num_subcores
    nw = nc * ns
    per_w = batch // nw
    sizes = [CHUNK] * (per_w // CHUNK)
    offs = [sum(sizes[:i]) for i in range(len(sizes))]
    nchunk = len(sizes)
    assert per_w * nw == batch and sum(sizes) == per_w and dim == EMBED_DIM

    mesh = plsc.VectorSubcoreMesh(core_axis_name="c", subcore_axis_name="s")

    @functools.partial(
        pl.kernel,
        mesh=mesh,
        compiler_params=pltpu.CompilerParams(needs_layout_passes=False),
        out_type=jax.ShapeDtypeStruct((batch,), jnp.float32),
        scratch_types=(
            [pltpu.VMEM((per_w,), jnp.int32)] * 2
            + [pltpu.VMEM((CHUNK, EMBED_DIM), jnp.float32)] * (2 * NBUF)
            + [pltpu.VMEM((per_w,), jnp.float32)]
            + [pltpu.SemaphoreType.DMA] * NBUF
        ),
    )
    def sc_kernel(s_hbm, d_hbm, w_hbm, out_hbm,
                  sid_v, did_v, *rest):
        sbufs = rest[0:NBUF]
        dbufs = rest[NBUF:2 * NBUF]
        out_v = rest[2 * NBUF]
        sems = rest[2 * NBUF + 1:]
        wid = lax.axis_index("s") * nc + lax.axis_index("c")
        base = wid * per_w

        iota = lax.iota(jnp.int32, LANES)
        last_lane = iota == (LANES - 1)
        zeros_i = jnp.zeros((LANES,), jnp.int32)
        inflight = [None] * nchunk

        def start_gather(c):
            b = c % NBUF
            n, o = sizes[c], offs[c]
            h1 = pltpu.async_copy(w_hbm.at[sid_v.at[pl.ds(o, n)]],
                                  sbufs[b].at[pl.ds(0, n)], sems[b])
            h2 = pltpu.async_copy(w_hbm.at[did_v.at[pl.ds(o, n)]],
                                  dbufs[b].at[pl.ds(0, n)], sems[b])
            inflight[c] = (h1, h2)

        def compute(c):
            b = c % NBUF
            sb, db = sbufs[b], dbufs[b]

            @plsc.parallel_loop(0, sizes[c], 1, unroll=1)
            def _(p):
                prods = [sb[p, pl.ds(k * LANES, LANES)] * db[p, pl.ds(k * LANES, LANES)]
                         for k in range(EMBED_DIM // LANES)]
                while len(prods) > 1:
                    prods = [a + b2 for a, b2 in zip(prods[::2], prods[1::2])]
                csum = plsc.cumsum(prods[0])
                res = 1.0 / (1.0 + jnp.exp(csum))
                plsc.store_scatter(out_v, [zeros_i + (offs[c] + p)], res,
                                   mask=last_lane)

        hs = pltpu.async_copy(s_hbm.at[pl.ds(base, per_w)], sid_v, sems[0])
        hd = pltpu.async_copy(d_hbm.at[pl.ds(base, per_w)], did_v, sems[1])
        hs.wait()
        hd.wait()

        depth = NBUF - 1
        for c in range(min(depth, nchunk)):
            start_gather(c)
        for c in range(nchunk):
            if c + depth < nchunk:
                start_gather(c + depth)
            with jax.named_scope("dma_wait"):
                for h in inflight[c]:
                    h.wait()
            with jax.named_scope("compute"):
                compute(c)
        pltpu.sync_copy(out_v, out_hbm.at[pl.ds(base, per_w)])

    return sc_kernel


def kernel(x, W):
    s = x[:, 0]
    d = x[:, 2]
    sck = _build_sc_kernel(x.shape[0], W.shape[0], W.shape[1])
    return sck(s, d, W)

# --- scband reference (transcript-rebuilt; emitter-appended) ---
"""Pipeline reference for scband-cosine-similarity-45277545234592 (READ-ONLY COPY).

The authoritative reference and input builder live on the scoring server;
editing this copy changes nothing except your own understanding.
"""

import jax, jax.numpy as jnp
import numpy as np

NUM_CLASSES = 100000
EMBED_DIM = 128
BATCH = 16384


def setup_inputs(seed: int = 0) -> dict:
    key = jax.random.key(seed)
    k1, k2 = jax.random.split(key)
    # index tensor: columns 0 and 2 are used as src/dst ids (column 1 is ignored by the module)
    x = jax.random.randint(k1, (BATCH, 3), 0, NUM_CLASSES, dtype=jnp.int32)
    # learned embedding table (corresponds to the `embeddings` constructor arg)
    W = jax.random.normal(k2, (NUM_CLASSES, EMBED_DIM), dtype=jnp.float32)
    return {"x": x, "W": W}


def reference(x, W):
    s = x[:, 0]
    d = x[:, 2]
    srcs = jnp.take(W, s, axis=0)  # embedding gather
    dsts = jnp.take(W, d, axis=0)  # embedding gather
    logits = jnp.sum(srcs * dsts, axis=1)
    return 1.0 - jax.nn.sigmoid(logits)

if __name__ == "__main__":
    import jax
    _d = setup_inputs()
    print(jax.jit(kernel)(*tuple(_d.values())))

</pallas_src>

<mosaic_0001>
#map = affine_map<(d0, d1) -> (0)>
#map1 = affine_map<(d0, d1) -> (0, 0)>
module attributes {stable_mosaic.version = 14 : i64} {
  func.func @sc_kernel(%arg0: i32, %arg1: i32, %arg2: memref<16384xi32, #tpu.memory_space<hbm>>, %arg3: memref<16384xi32, #tpu.memory_space<hbm>>, %arg4: memref<100000x128xf32, #tpu.memory_space<hbm>>, %arg5: memref<16384xf32, #tpu.memory_space<hbm>>, %arg6: memref<512xi32, #tpu.memory_space<vmem>>, %arg7: memref<512xi32, #tpu.memory_space<vmem>>, %arg8: memref<64x128xf32, #tpu.memory_space<vmem>>, %arg9: memref<64x128xf32, #tpu.memory_space<vmem>>, %arg10: memref<64x128xf32, #tpu.memory_space<vmem>>, %arg11: memref<64x128xf32, #tpu.memory_space<vmem>>, %arg12: memref<64x128xf32, #tpu.memory_space<vmem>>, %arg13: memref<64x128xf32, #tpu.memory_space<vmem>>, %arg14: memref<64x128xf32, #tpu.memory_space<vmem>>, %arg15: memref<64x128xf32, #tpu.memory_space<vmem>>, %arg16: memref<512xf32, #tpu.memory_space<vmem>>, %arg17: memref<!tpu.dma_semaphore, #tpu.memory_space<semaphore_mem>>, %arg18: memref<!tpu.dma_semaphore, #tpu.memory_space<semaphore_mem>>, %arg19: memref<!tpu.dma_semaphore, #tpu.memory_space<semaphore_mem>>, %arg20: memref<!tpu.dma_semaphore, #tpu.memory_space<semaphore_mem>>) attributes {dimension_semantics = [#tpu.dimension_semantics<core_parallel>, #tpu.dimension_semantics<subcore_parallel>], iteration_bounds = array<i64: 2, 16>, scalar_prefetch = 0 : i64, scratch_operands = 15 : i64, tpu.core_type = #tpu.core_type<sc_vector_subcore>, window_params = [{transform_indices = #map}, {transform_indices = #map}, {transform_indices = #map1}, {transform_indices = #map}]} {
    %mul3A = arith.constant 2 : i32
    %mul3A_0 = arith.muli %arg1, %mul3A : i32
    %add3A = arith.addi %mul3A_0, %arg0 : i32
    %mul3A_1 = arith.constant 512 : i32
    %mul3A_2 = arith.muli %add3A, %mul3A_1 : i32
    %iota3A = tpu.iota {dimensions = array<i32: 0>} : vector<16xi32>
    %eq3A = arith.constant 15 : i32
    %eq3A_3 = vector.broadcast %eq3A : i32 to vector<16xi32>
    %eq3A_4 = arith.cmpi eq, %iota3A, %eq3A_3 : vector<16xi32>
    %broadcast_in_dim3A = arith.constant 0 : i32
    %broadcast_in_dim3A_5 = vector.broadcast %broadcast_in_dim3A : i32 to vector<16xi32>
    %dma_start3A = tpu.memref_slice %arg2[%mul3A_2] : memref<16384xi32, #tpu.memory_space<hbm>> -> memref<512xi32, #tpu.memory_space<hbm>>
    %dma_start3A_6 = tpu.memref_slice %arg2[%mul3A_2] : memref<16384xi32, #tpu.memory_space<hbm>> -> memref<512xi32, #tpu.memory_space<hbm>>
    tpu.enqueue_dma source(%dma_start3A_6 : memref<512xi32, #tpu.memory_space<hbm>>) target(%arg6 : memref<512xi32, #tpu.memory_space<vmem>>) target_semaphore(%arg17 : memref<!tpu.dma_semaphore, #tpu.memory_space<semaphore_mem>>)
    %dma_start3A_7 = tpu.memref_slice %arg3[%mul3A_2] : memref<16384xi32, #tpu.memory_space<hbm>> -> memref<512xi32, #tpu.memory_space<hbm>>
    %dma_start3A_8 = tpu.memref_slice %arg3[%mul3A_2] : memref<16384xi32, #tpu.memory_space<hbm>> -> memref<512xi32, #tpu.memory_space<hbm>>
    tpu.enqueue_dma source(%dma_start3A_8 : memref<512xi32, #tpu.memory_space<hbm>>) target(%arg7 : memref<512xi32, #tpu.memory_space<vmem>>) target_semaphore(%arg18 : memref<!tpu.dma_semaphore, #tpu.memory_space<semaphore_mem>>)
    %dma_wait3A = tpu.memref_slice %arg2[%mul3A_2] : memref<16384xi32, #tpu.memory_space<hbm>> -> memref<512xi32, #tpu.memory_space<hbm>>
    %dma_wait3A_9 = tpu.memref_slice %arg2[%mul3A_2] : memref<16384xi32, #tpu.memory_space<hbm>> -> memref<512xi32, #tpu.memory_space<hbm>>
    tpu.wait_dma2 semaphore(%arg17 : memref<!tpu.dma_semaphore, #tpu.memory_space<semaphore_mem>>) src(%dma_wait3A_9 : memref<512xi32, #tpu.memory_space<hbm>>) dst(%arg6 : memref<512xi32, #tpu.memory_space<vmem>>)
    %dma_wait3A_10 = tpu.memref_slice %arg3[%mul3A_2] : memref<16384xi32, #tpu.memory_space<hbm>> -> memref<512xi32, #tpu.memory_space<hbm>>
    %dma_wait3A_11 = tpu.memref_slice %arg3[%mul3A_2] : memref<16384xi32, #tpu.memory_space<hbm>> -> memref<512xi32, #tpu.memory_space<hbm>>
    tpu.wait_dma2 semaphore(%arg18 : memref<!tpu.dma_semaphore, #tpu.memory_space<semaphore_mem>>) src(%dma_wait3A_11 : memref<512xi32, #tpu.memory_space<hbm>>) dst(%arg7 : memref<512xi32, #tpu.memory_space<vmem>>)
    %dma_start3A_12 = arith.constant 0 : i32
    %dma_start3A_13 = arith.constant 0 : i32
    %dma_start3A_14 = tpu.memref_slice %arg8[%dma_start3A_12, %dma_start3A_13] : memref<64x128xf32, #tpu.memory_space<vmem>> -> memref<64x128xf32, #tpu.memory_space<vmem>>
    %dma_start3A_15 = arith.constant 0 : i32
    %dma_start3A_16 = tpu.memref_slice %arg6[%dma_start3A_15] : memref<512xi32, #tpu.memory_space<vmem>> -> memref<64xi32, #tpu.memory_space<vmem>>
    %dma_start3A_17 = arith.constant 0 : i32
    %dma_start3A_18 = arith.constant 0 : i32
    %dma_start3A_19 = tpu.memref_slice %arg4[%dma_start3A_17, %dma_start3A_18] : memref<100000x128xf32, #tpu.memory_space<hbm>> -> memref<100000x128xf32, #tpu.memory_space<hbm>>
    tpu.enqueue_indirect_dma source(%dma_start3A_19 : memref<100000x128xf32, #tpu.memory_space<hbm>>) target(%dma_start3A_14 : memref<64x128xf32, #tpu.memory_space<vmem>>) offsets(%dma_start3A_16 : memref<64xi32, #tpu.memory_space<vmem>>) semaphore(%arg17 : memref<!tpu.dma_semaphore, #tpu.memory_space<semaphore_mem>>)
    %dma_start3A_20 = arith.constant 0 : i32
    %dma_start3A_21 = arith.constant 0 : i32
    %dma_start3A_22 = tpu.memref_slice %arg12[%dma_start3A_20, %dma_start3A_21] : memref<64x128xf32, #tpu.memory_space<vmem>> -> memref<64x128xf32, #tpu.memory_space<vmem>>
    %dma_start3A_23 = arith.constant 0 : i32
    %dma_start3A_24 = tpu.memref_slice %arg7[%dma_start3A_23] : memref<512xi32, #tpu.memory_space<vmem>> -> memref<64xi32, #tpu.memory_space<vmem>>
    %dma_start3A_25 = arith.constant 0 : i32
    %dma_start3A_26 = arith.constant 0 : i32
    %dma_start3A_27 = tpu.memref_slice %arg4[%dma_start3A_25, %dma_start3A_26] : memref<100000x128xf32, #tpu.memory_space<hbm>> -> memref<100000x128xf32, #tpu.memory_space<hbm>>
    tpu.enqueue_indirect_dma source(%dma_start3A_27 : memref<100000x128xf32, #tpu.memory_space<hbm>>) target(%dma_start3A_22 : memref<64x128xf32, #tpu.memory_space<vmem>>) offsets(%dma_start3A_24 : memref<64xi32, #tpu.memory_space<vmem>>) semaphore(%arg17 : memref<!tpu.dma_semaphore, #tpu.memory_space<semaphore_mem>>)
    %dma_start3A_28 = arith.constant 0 : i32
    %dma_start3A_29 = arith.constant 0 : i32
    %dma_start3A_30 = tpu.memref_slice %arg9[%dma_start3A_28, %dma_start3A_29] : memref<64x128xf32, #tpu.memory_space<vmem>> -> memref<64x128xf32, #tpu.memory_space<vmem>>
    %dma_start3A_31 = arith.constant 64 : i32
    %dma_start3A_32 = tpu.memref_slice %arg6[%dma_start3A_31] : memref<512xi32, #tpu.memory_space<vmem>> -> memref<64xi32, #tpu.memory_space<vmem>>
    %dma_start3A_33 = arith.constant 0 : i32
    %dma_start3A_34 = arith.constant 0 : i32
    %dma_start3A_35 = tpu.memref_slice %arg4[%dma_start3A_33, %dma_start3A_34] : memref<100000x128xf32, #tpu.memory_space<hbm>> -> memref<100000x128xf32, #tpu.memory_space<hbm>>
    tpu.enqueue_indirect_dma source(%dma_start3A_35 : memref<100000x128xf32, #tpu.memory_space<hbm>>) target(%dma_start3A_30 : memref<64x128xf32, #tpu.memory_space<vmem>>) offsets(%dma_start3A_32 : memref<64xi32, #tpu.memory_space<vmem>>) semaphore(%arg18 : memref<!tpu.dma_semaphore, #tpu.memory_space<semaphore_mem>>)
    %dma_start3A_36 = arith.constant 0 : i32
    %dma_start3A_37 = arith.constant 0 : i32
    %dma_start3A_38 = tpu.memref_slice %arg13[%dma_start3A_36, %dma_start3A_37] : memref<64x128xf32, #tpu.memory_space<vmem>> -> memref<64x128xf32, #tpu.memory_space<vmem>>
    %dma_start3A_39 = arith.constant 64 : i32
    %dma_start3A_40 = tpu.memref_slice %arg7[%dma_start3A_39] : memref<512xi32, #tpu.memory_space<vmem>> -> memref<64xi32, #tpu.memory_space<vmem>>
    %dma_start3A_41 = arith.constant 0 : i32
    %dma_start3A_42 = arith.constant 0 : i32
    %dma_start3A_43 = tpu.memref_slice %arg4[%dma_start3A_41, %dma_start3A_42] : memref<100000x128xf32, #tpu.memory_space<hbm>> -> memref<100000x128xf32, #tpu.memory_space<hbm>>
    tpu.enqueue_indirect_dma source(%dma_start3A_43 : memref<100000x128xf32, #tpu.memory_space<hbm>>) target(%dma_start3A_38 : memref<64x128xf32, #tpu.memory_space<vmem>>) offsets(%dma_start3A_40 : memref<64xi32, #tpu.memory_space<vmem>>) semaphore(%arg18 : memref<!tpu.dma_semaphore, #tpu.memory_space<semaphore_mem>>)
    %dma_start3A_44 = arith.constant 0 : i32
    %dma_start3A_45 = arith.constant 0 : i32
    %dma_start3A_46 = tpu.memref_slice %arg10[%dma_start3A_44, %dma_start3A_45] : memref<64x128xf32, #tpu.memory_space<vmem>> -> memref<64x128xf32, #tpu.memory_space<vmem>>
    %dma_start3A_47 = arith.constant 128 : i32
    %dma_start3A_48 = tpu.memref_slice %arg6[%dma_start3A_47] : memref<512xi32, #tpu.memory_space<vmem>> -> memref<64xi32, #tpu.memory_space<vmem>>
    %dma_start3A_49 = arith.constant 0 : i32
    %dma_start3A_50 = arith.constant 0 : i32
    %dma_start3A_51 = tpu.memref_slice %arg4[%dma_start3A_49, %dma_start3A_50] : memref<100000x128xf32, #tpu.memory_space<hbm>> -> memref<100000x128xf32, #tpu.memory_space<hbm>>
    tpu.enqueue_indirect_dma source(%dma_start3A_51 : memref<100000x128xf32, #tpu.memory_space<hbm>>) target(%dma_start3A_46 : memref<64x128xf32, #tpu.memory_space<vmem>>) offsets(%dma_start3A_48 : memref<64xi32, #tpu.memory_space<vmem>>) semaphore(%arg19 : memref<!tpu.dma_semaphore, #tpu.memory_space<semaphore_mem>>)
    %dma_start3A_52 = arith.constant 0 : i32
    %dma_start3A_53 = arith.constant 0 : i32
    %dma_start3A_54 = tpu.memref_slice %arg14[%dma_start3A_52, %dma_start3A_53] : memref<64x128xf32, #tpu.memory_space<vmem>> -> memref<64x128xf32, #tpu.memory_space<vmem>>
    %dma_start3A_55 = arith.constant 128 : i32
    %dma_start3A_56 = tpu.memref_slice %arg7[%dma_start3A_55] : memref<512xi32, #tpu.memory_space<vmem>> -> memref<64xi32, #tpu.memory_space<vmem>>
    %dma_start3A_57 = arith.constant 0 : i32
    %dma_start3A_58 = arith.constant 0 : i32
    %dma_start3A_59 = tpu.memref_slice %arg4[%dma_start3A_57, %dma_start3A_58] : memref<100000x128xf32, #tpu.memory_space<hbm>> -> memref<100000x128xf32, #tpu.memory_space<hbm>>
    tpu.enqueue_indirect_dma source(%dma_start3A_59 : memref<100000x128xf32, #tpu.memory_space<hbm>>) target(%dma_start3A_54 : memref<64x128xf32, #tpu.memory_space<vmem>>) offsets(%dma_start3A_56 : memref<64xi32, #tpu.memory_space<vmem>>) semaphore(%arg19 : memref<!tpu.dma_semaphore, #tpu.memory_space<semaphore_mem>>)
    %dma_start3A_60 = arith.constant 0 : i32
    %dma_start3A_61 = arith.constant 0 : i32
    %dma_start3A_62 = tpu.memref_slice %arg11[%dma_start3A_60, %dma_start3A_61] : memref<64x128xf32, #tpu.memory_space<vmem>> -> memref<64x128xf32, #tpu.memory_space<vmem>>
    %dma_start3A_63 = arith.constant 192 : i32
    %dma_start3A_64 = tpu.memref_slice %arg6[%dma_start3A_63] : memref<512xi32, #tpu.memory_space<vmem>> -> memref<64xi32, #tpu.memory_space<vmem>>
    %dma_start3A_65 = arith.constant 0 : i32
    %dma_start3A_66 = arith.constant 0 : i32
    %dma_start3A_67 = tpu.memref_slice %arg4[%dma_start3A_65, %dma_start3A_66] : memref<100000x128xf32, #tpu.memory_space<hbm>> -> memref<100000x128xf32, #tpu.memory_space<hbm>>
    tpu.enqueue_indirect_dma source(%dma_start3A_67 : memref<100000x128xf32, #tpu.memory_space<hbm>>) target(%dma_start3A_62 : memref<64x128xf32, #tpu.memory_space<vmem>>) offsets(%dma_start3A_64 : memref<64xi32, #tpu.memory_space<vmem>>) semaphore(%arg20 : memref<!tpu.dma_semaphore, #tpu.memory_space<semaphore_mem>>)
    %dma_start3A_68 = arith.constant 0 : i32
    %dma_start3A_69 = arith.constant 0 : i32
    %dma_start3A_70 = tpu.memref_slice %arg15[%dma_start3A_68, %dma_start3A_69] : memref<64x128xf32, #tpu.memory_space<vmem>> -> memref<64x128xf32, #tpu.memory_space<vmem>>
    %dma_start3A_71 = arith.constant 192 : i32
    %dma_start3A_72 = tpu.memref_slice %arg7[%dma_start3A_71] : memref<512xi32, #tpu.memory_space<vmem>> -> memref<64xi32, #tpu.memory_space<vmem>>
    %dma_start3A_73 = arith.constant 0 : i32
    %dma_start3A_74 = arith.constant 0 : i32
    %dma_start3A_75 = tpu.memref_slice %arg4[%dma_start3A_73, %dma_start3A_74] : memref<100000x128xf32, #tpu.memory_space<hbm>> -> memref<100000x128xf32, #tpu.memory_space<hbm>>
    tpu.enqueue_indirect_dma source(%dma_start3A_75 : memref<100000x128xf32, #tpu.memory_space<hbm>>) target(%dma_start3A_70 : memref<64x128xf32, #tpu.memory_space<vmem>>) offsets(%dma_start3A_72 : memref<64xi32, #tpu.memory_space<vmem>>) semaphore(%arg20 : memref<!tpu.dma_semaphore, #tpu.memory_space<semaphore_mem>>)
    "tpu.trace_start"() <{level = 10 : i32, message = "dma_wait"}> : () -> ()
    %dma_wait3A_76 = arith.constant 0 : i32
    %dma_wait3A_77 = arith.constant 0 : i32
    %dma_wait3A_78 = tpu.memref_slice %arg8[%dma_wait3A_76, %dma_wait3A_77] : memref<64x128xf32, #tpu.memory_space<vmem>> -> memref<64x128xf32, #tpu.memory_space<vmem>>
    %dma_wait3A_79 = arith.constant 0 : i32
    %dma_wait3A_80 = tpu.memref_slice %arg6[%dma_wait3A_79] : memref<512xi32, #tpu.memory_space<vmem>> -> memref<64xi32, #tpu.memory_space<vmem>>
    %dma_wait3A_81 = arith.constant 0 : i32
    %dma_wait3A_82 = arith.constant 0 : i32
    %dma_wait3A_83 = tpu.memref_slice %arg4[%dma_wait3A_81, %dma_wait3A_82] : memref<100000x128xf32, #tpu.memory_space<hbm>> -> memref<100000x128xf32, #tpu.memory_space<hbm>>
    tpu.wait_indirect_dma semaphore(%arg17 : memref<!tpu.dma_semaphore, #tpu.memory_space<semaphore_mem>>) src(%dma_wait3A_83 : memref<100000x128xf32, #tpu.memory_space<hbm>>) dst(%dma_wait3A_78 : memref<64x128xf32, #tpu.memory_space<vmem>>)
    %dma_wait3A_84 = arith.constant 0 : i32
    %dma_wait3A_85 = arith.constant 0 : i32
    %dma_wait3A_86 = tpu.memref_slice %arg12[%dma_wait3A_84, %dma_wait3A_85] : memref<64x128xf32, #tpu.memory_space<vmem>> -> memref<64x128xf32, #tpu.memory_space<vmem>>
    %dma_wait3A_87 = arith.constant 0 : i32
    %dma_wait3A_88 = tpu.memref_slice %arg7[%dma_wait3A_87] : memref<512xi32, #tpu.memory_space<vmem>> -> memref<64xi32, #tpu.memory_space<vmem>>
    %dma_wait3A_89 = arith.constant 0 : i32
    %dma_wait3A_90 = arith.constant 0 : i32
    %dma_wait3A_91 = tpu.memref_slice %arg4[%dma_wait3A_89, %dma_wait3A_90] : memref<100000x128xf32, #tpu.memory_space<hbm>> -> memref<100000x128xf32, #tpu.memory_space<hbm>>
    tpu.wait_indirect_dma semaphore(%arg17 : memref<!tpu.dma_semaphore, #tpu.memory_space<semaphore_mem>>) src(%dma_wait3A_91 : memref<100000x128xf32, #tpu.memory_space<hbm>>) dst(%dma_wait3A_86 : memref<64x128xf32, #tpu.memory_space<vmem>>)
    %parallel_loop3A = arith.constant 0 : i32
    %parallel_loop3A_92 = arith.constant 64 : i32
    %parallel_loop3A_93 = arith.constant 1 : i32
    "tpu.trace_stop"() : () -> ()
    "tpu.trace_start"() <{level = 10 : i32, message = "compute"}> : () -> ()
    scf.for %parallel_loop3A_291 = %parallel_loop3A to %parallel_loop3A_92 step %parallel_loop3A_93  : i32 {
      %parallel_loop3A_292 = arith.index_cast %parallel_loop3A_291 : i32 to index
      %parallel_loop3A_293 = arith.constant 0 : index
      %parallel_loop3A_294 = tpu.vector_load %arg8[%parallel_loop3A_292, %parallel_loop3A_293] {strides = array<i32>} : memref<64x128xf32, #tpu.memory_space<vmem>>, vector<16xf32>,
      %parallel_loop3A_295 = arith.index_cast %parallel_loop3A_291 : i32 to index
      %parallel_loop3A_296 = arith.constant 0 : index
      %parallel_loop3A_297 = tpu.vector_load %arg12[%parallel_loop3A_295, %parallel_loop3A_296] {strides = array<i32>} : memref<64x128xf32, #tpu.memory_space<vmem>>, vector<16xf32>,
      %parallel_loop3A_298 = arith.mulf %parallel_loop3A_294, %parallel_loop3A_297 : vector<16xf32>
      %parallel_loop3A_299 = arith.index_cast %parallel_loop3A_291 : i32 to index
      %parallel_loop3A_300 = arith.constant 16 : index
      %parallel_loop3A_301 = tpu.vector_load %arg8[%parallel_loop3A_299, %parallel_loop3A_300] {strides = array<i32>} : memref<64x128xf32, #tpu.memory_space<vmem>>, vector<16xf32>,
      %parallel_loop3A_302 = arith.index_cast %parallel_loop3A_291 : i32 to index
      %parallel_loop3A_303 = arith.constant 16 : index
      %parallel_loop3A_304 = tpu.vector_load %arg12[%parallel_loop3A_302, %parallel_loop3A_303] {strides = array<i32>} : memref<64x128xf32, #tpu.memory_space<vmem>>, vector<16xf32>,
      %parallel_loop3A_305 = arith.mulf %parallel_loop3A_301, %parallel_loop3A_304 : vector<16xf32>
      %parallel_loop3A_306 = arith.index_cast %parallel_loop3A_291 : i32 to index
      %parallel_loop3A_307 = arith.constant 32 : index
      %parallel_loop3A_308 = tpu.vector_load %arg8[%parallel_loop3A_306, %parallel_loop3A_307] {strides = array<i32>} : memref<64x128xf32, #tpu.memory_space<vmem>>, vector<16xf32>,
      %parallel_loop3A_309 = arith.index_cast %parallel_loop3A_291 : i32 to index
      %parallel_loop3A_310 = arith.constant 32 : index
      %parallel_loop3A_311 = tpu.vector_load %arg12[%parallel_loop3A_309, %parallel_loop3A_310] {strides = array<i32>} : memref<64x128xf32, #tpu.memory_space<vmem>>, vector<16xf32>,
      %parallel_loop3A_312 = arith.mulf %parallel_loop3A_308, %parallel_loop3A_311 : vector<16xf32>
      %parallel_loop3A_313 = arith.index_cast %parallel_loop3A_291 : i32 to index
      %parallel_loop3A_314 = arith.constant 48 : index
      %parallel_loop3A_315 = tpu.vector_load %arg8[%parallel_loop3A_313, %parallel_loop3A_314] {strides = array<i32>} : memref<64x128xf32, #tpu.memory_space<vmem>>, vector<16xf32>,
      %parallel_loop3A_316 = arith.index_cast %parallel_loop3A_291 : i32 to index
      %parallel_loop3A_317 = arith.constant 48 : index
      %parallel_loop3A_318 = tpu.vector_load %arg12[%parallel_loop3A_316, %parallel_loop3A_317] {strides = array<i32>} : memref<64x128xf32, #tpu.memory_space<vmem>>, vector<16xf32>,
      %parallel_loop3A_319 = arith.mulf %parallel_loop3A_315, %parallel_loop3A_318 : vector<16xf32>
      %parallel_loop3A_320 = arith.index_cast %parallel_loop3A_291 : i32 to index
      %parallel_loop3A_321 = arith.constant 64 : index
      %parallel_loop3A_322 = tpu.vector_load %arg8[%parallel_loop3A_320, %parallel_loop3A_321] {strides = array<i32>} : memref<64x128xf32, #tpu.memory_space<vmem>>, vector<16xf32>,
      %parallel_loop3A_323 = arith.index_cast %parallel_loop3A_291 : i32 to index
      %parallel_loop3A_324 = arith.constant 64 : index
      %parallel_loop3A_325 = tpu.vector_load %arg12[%parallel_loop3A_323, %parallel_loop3A_324] {strides = array<i32>} : memref<64x128xf32, #tpu.memory_space<vmem>>, vector<16xf32>,
      %parallel_loop3A_326 = arith.mulf %parallel_loop3A_322, %parallel_loop3A_325 : vector<16xf32>
      %parallel_loop3A_327 = arith.index_cast %parallel_loop3A_291 : i32 to index
      %parallel_loop3A_328 = arith.constant 80 : index
      %parallel_loop3A_329 = tpu.vector_load %arg8[%parallel_loop3A_327, %parallel_loop3A_328] {strides = array<i32>} : memref<64x128xf32, #tpu.memory_space<vmem>>, vector<16xf32>,
      %parallel_loop3A_330 = arith.index_cast %parallel_loop3A_291 : i32 to index
      %parallel_loop3A_331 = arith.constant 80 : index
      %parallel_loop3A_332 = tpu.vector_load %arg12[%parallel_loop3A_330, %parallel_loop3A_331] {strides = array<i32>} : memref<64x128xf32, #tpu.memory_space<vmem>>, vector<16xf32>,
      %parallel_loop3A_333 = arith.mulf %parallel_loop3A_329, %parallel_loop3A_332 : vector<16xf32>
      %parallel_loop3A_334 = arith.index_cast %parallel_loop3A_291 : i32 to index
      %parallel_loop3A_335 = arith.constant 96 : index
      %parallel_loop3A_336 = tpu.vector_load %arg8[%parallel_loop3A_334, %parallel_loop3A_335] {strides = array<i32>} : memref<64x128xf32, #tpu.memory_space<vmem>>, vector<16xf32>,
      %parallel_loop3A_337 = arith.index_cast %parallel_loop3A_291 : i32 to index
      %parallel_loop3A_338 = arith.constant 96 : index
      %parallel_loop3A_339 = tpu.vector_load %arg12[%parallel_loop3A_337, %parallel_loop3A_338] {strides = array<i32>} : memref<64x128xf32, #tpu.memory_space<vmem>>, vector<16xf32>,
      %parallel_loop3A_340 = arith.mulf %parallel_loop3A_336, %parallel_loop3A_339 : vector<16xf32>
      %parallel_loop3A_341 = arith.index_cast %parallel_loop3A_291 : i32 to index
      %parallel_loop3A_342 = arith.constant 112 : index
      %parallel_loop3A_343 = tpu.vector_load %arg8[%parallel_loop3A_341, %parallel_loop3A_342] {strides = array<i32>} : memref<64x128xf32, #tpu.memory_space<vmem>>, vector<16xf32>,
      %parallel_loop3A_344 = arith.index_cast %parallel_loop3A_291 : i32 to index
      %parallel_loop3A_345 = arith.constant 112 : index
      %parallel_loop3A_346 = tpu.vector_load %arg12[%parallel_loop3A_344, %parallel_loop3A_345] {strides = array<i32>} : memref<64x128xf32, #tpu.memory_space<vmem>>, vector<16xf32>,
      %parallel_loop3A_347 = arith.mulf %parallel_loop3A_343, %parallel_loop3A_346 : vector<16xf32>
      %parallel_loop3A_348 = arith.addf %parallel_loop3A_298, %parallel_loop3A_305 : vector<16xf32>
      %parallel_loop3A_349 = arith.addf %parallel_loop3A_312, %parallel_loop3A_319 : vector<16xf32>
      %parallel_loop3A_350 = arith.addf %parallel_loop3A_326, %parallel_loop3A_333 : vector<16xf32>
      %parallel_loop3A_351 = arith.addf %parallel_loop3A_340, %parallel_loop3A_347 : vector<16xf32>
      %parallel_loop3A_352 = arith.addf %parallel_loop3A_348, %parallel_loop3A_349 : vector<16xf32>
      %parallel_loop3A_353 = arith.addf %parallel_loop3A_350, %parallel_loop3A_351 : vector<16xf32>
      %parallel_loop3A_354 = arith.addf %parallel_loop3A_352, %parallel_loop3A_353 : vector<16xf32>
      %parallel_loop3A_355 = arith.constant true
      %parallel_loop3A_356 = vector.broadcast %parallel_loop3A_355 : i1 to vector<16xi1>
      %parallel_loop3A_357 = tpu.scan <sum>, %parallel_loop3A_354 masked %parallel_loop3A_356 : vector<16xf32>, vector<16xi1> -> vector<16xf32>
      %parallel_loop3A_358 = math.exp %parallel_loop3A_357 : vector<16xf32>
      %parallel_loop3A_359 = arith.constant 1.000000e+00 : f32
      %parallel_loop3A_360 = vector.broadcast %parallel_loop3A_359 : f32 to vector<16xf32>
      %parallel_loop3A_361 = arith.addf %parallel_loop3A_360, %parallel_loop3A_358 : vector<16xf32>
      %parallel_loop3A_362 = arith.constant 1.000000e+00 : f32
      %parallel_loop3A_363 = vector.broadcast %parallel_loop3A_362 : f32 to vector<16xf32>
      %parallel_loop3A_364 = arith.divf %parallel_loop3A_363, %parallel_loop3A_361 : vector<16xf32>
      %parallel_loop3A_365 = arith.constant 0 : i32
      %parallel_loop3A_366 = arith.addi %parallel_loop3A_365, %parallel_loop3A_291 : i32
      %parallel_loop3A_367 = vector.broadcast %parallel_loop3A_366 : i32 to vector<16xi32>
      %parallel_loop3A_368 = arith.addi %broadcast_in_dim3A_5, %parallel_loop3A_367 : vector<16xi32>
      tpu.vector_store_idx %arg16[%parallel_loop3A_368], %parallel_loop3A_364 masked %eq3A_4 : memref<512xf32, #tpu.memory_space<vmem>>[vector<16xi32>], vector<16xf32>, vector<16xi1>
    } {sc.loop_unroll_factor = 1 : i64, sc.parallel_access}
    "tpu.trace_stop"() : () -> ()
    %dma_start3A_94 = arith.constant 0 : i32
    %dma_start3A_95 = arith.constant 0 : i32
    %dma_start3A_96 = tpu.memref_slice %arg8[%dma_start3A_94, %dma_start3A_95] : memref<64x128xf32, #tpu.memory_space<vmem>> -> memref<64x128xf32, #tpu.memory_space<vmem>>
    %dma_start3A_97 = arith.constant 256 : i32
    %dma_start3A_98 = tpu.memref_slice %arg6[%dma_start3A_97] : memref<512xi32, #tpu.memory_space<vmem>> -> memref<64xi32, #tpu.memory_space<vmem>>
    %dma_start3A_99 = arith.constant 0 : i32
    %dma_start3A_100 = arith.constant 0 : i32
    %dma_start3A_101 = tpu.memref_slice %arg4[%dma_start3A_99, %dma_start3A_100] : memref<100000x128xf32, #tpu.memory_space<hbm>> -> memref<100000x128xf32, #tpu.memory_space<hbm>>
    tpu.enqueue_indirect_dma source(%dma_start3A_101 : memref<100000x128xf32, #tpu.memory_space<hbm>>) target(%dma_start3A_96 : memref<64x128xf32, #tpu.memory_space<vmem>>) offsets(%dma_start3A_98 : memref<64xi32, #tpu.memory_space<vmem>>) semaphore(%arg17 : memref<!tpu.dma_semaphore, #tpu.memory_space<semaphore_mem>>)
    %dma_start3A_102 = arith.constant 0 : i32
    %dma_start3A_103 = arith.constant 0 : i32
    %dma_start3A_104 = tpu.memref_slice %arg12[%dma_start3A_102, %dma_start3A_103] : memref<64x128xf32, #tpu.memory_space<vmem>> -> memref<64x128xf32, #tpu.memory_space<vmem>>
    %dma_start3A_105 = arith.constant 256 : i32
    %dma_start3A_106 = tpu.memref_slice %arg7[%dma_start3A_105] : memref<512xi32, #tpu.memory_space<vmem>> -> memref<64xi32, #tpu.memory_space<vmem>>
    %dma_start3A_107 = arith.constant 0 : i32
    %dma_start3A_108 = arith.constant 0 : i32
    %dma_start3A_109 = tpu.memref_slice %arg4[%dma_start3A_107, %dma_start3A_108] : memref<100000x128xf32, #tpu.memory_space<hbm>> -> memref<100000x128xf32, #tpu.memory_space<hbm>>
    tpu.enqueue_indirect_dma source(%dma_start3A_109 : memref<100000x128xf32, #tpu.memory_space<hbm>>) target(%dma_start3A_104 : memref<64x128xf32, #tpu.memory_space<vmem>>) offsets(%dma_start3A_106 : memref<64xi32, #tpu.memory_space<vmem>>) semaphore(%arg17 : memref<!tpu.dma_semaphore, #tpu.memory_space<semaphore_mem>>)
    "tpu.trace_start"() <{level = 10 : i32, message = "dma_wait"}> : () -> ()
    %dma_wait3A_110 = arith.constant 0 : i32
    %dma_wait3A_111 = arith.constant 0 : i32
    %dma_wait3A_112 = tpu.memref_slice %arg9[%dma_wait3A_110, %dma_wait3A_111] : memref<64x128xf32, #tpu.memory_space<vmem>> -> memref<64x128xf32, #tpu.memory_space<vmem>>
    %dma_wait3A_113 = arith.constant 64 : i32
    %dma_wait3A_114 = tpu.memref_slice %arg6[%dma_wait3A_113] : memref<512xi32, #tpu.memory_space<vmem>> -> memref<64xi32, #tpu.memory_space<vmem>>
    %dma_wait3A_115 = arith.constant 0 : i32
    %dma_wait3A_116 = arith.constant 0 : i32
    %dma_wait3A_117 = tpu.memref_slice %arg4[%dma_wait3A_115, %dma_wait3A_116] : memref<100000x128xf32, #tpu.memory_space<hbm>> -> memref<100000x128xf32, #tpu.memory_space<hbm>>
    tpu.wait_indirect_dma semaphore(%arg18 : memref<!tpu.dma_semaphore, #tpu.memory_space<semaphore_mem>>) src(%dma_wait3A_117 : memref<100000x128xf32, #tpu.memory_space<hbm>>) dst(%dma_wait3A_112 : memref<64x128xf32, #tpu.memory_space<vmem>>)
    %dma_wait3A_118 = arith.constant 0 : i32
    %dma_wait3A_119 = arith.constant 0 : i32
    %dma_wait3A_120 = tpu.memref_slice %arg13[%dma_wait3A_118, %dma_wait3A_119] : memref<64x128xf32, #tpu.memory_space<vmem>> -> memref<64x128xf32, #tpu.memory_space<vmem>>
    %dma_wait3A_121 = arith.constant 64 : i32
    %dma_wait3A_122 = tpu.memref_slice %arg7[%dma_wait3A_121] : memref<512xi32, #tpu.memory_space<vmem>> -> memref<64xi32, #tpu.memory_space<vmem>>
    %dma_wait3A_123 = arith.constant 0 : i32
    %dma_wait3A_124 = arith.constant 0 : i32
    %dma_wait3A_125 = tpu.memref_slice %arg4[%dma_wait3A_123, %dma_wait3A_124] : memref<100000x128xf32, #tpu.memory_space<hbm>> -> memref<100000x128xf32, #tpu.memory_space<hbm>>
    tpu.wait_indirect_dma semaphore(%arg18 : memref<!tpu.dma_semaphore, #tpu.memory_space<semaphore_mem>>) src(%dma_wait3A_125 : memref<100000x128xf32, #tpu.memory_space<hbm>>) dst(%dma_wait3A_120 : memref<64x128xf32, #tpu.memory_space<vmem>>)
    %parallel_loop3A_126 = arith.constant 0 : i32
    %parallel_loop3A_127 = arith.constant 64 : i32
    %parallel_loop3A_128 = arith.constant 1 : i32
    "tpu.trace_stop"() : () -> ()
    "tpu.trace_start"() <{level = 10 : i32, message = "compute"}> : () -> ()
    scf.for %parallel_loop3A_291 = %parallel_loop3A_126 to %parallel_loop3A_127 step %parallel_loop3A_128  : i32 {
      %parallel_loop3A_292 = arith.index_cast %parallel_loop3A_291 : i32 to index
      %parallel_loop3A_293 = arith.constant 0 : index
      %parallel_loop3A_294 = tpu.vector_load %arg9[%parallel_loop3A_292, %parallel_loop3A_293] {strides = array<i32>} : memref<64x128xf32, #tpu.memory_space<vmem>>, vector<16xf32>,
      %parallel_loop3A_295 = arith.index_cast %parallel_loop3A_291 : i32 to index
      %parallel_loop3A_296 = arith.constant 0 : index
      %parallel_loop3A_297 = tpu.vector_load %arg13[%parallel_loop3A_295, %parallel_loop3A_296] {strides = array<i32>} : memref<64x128xf32, #tpu.memory_space<vmem>>, vector<16xf32>,
      %parallel_loop3A_298 = arith.mulf %parallel_loop3A_294, %parallel_loop3A_297 : vector<16xf32>
      %parallel_loop3A_299 = arith.index_cast %parallel_loop3A_291 : i32 to index
      %parallel_loop3A_300 = arith.constant 16 : index
      %parallel_loop3A_301 = tpu.vector_load %arg9[%parallel_loop3A_299, %parallel_loop3A_300] {strides = array<i32>} : memref<64x128xf32, #tpu.memory_space<vmem>>, vector<16xf32>,
      %parallel_loop3A_302 = arith.index_cast %parallel_loop3A_291 : i32 to index
      %parallel_loop3A_303 = arith.constant 16 : index
      %parallel_loop3A_304 = tpu.vector_load %arg13[%parallel_loop3A_302, %parallel_loop3A_303] {strides = array<i32>} : memref<64x128xf32, #tpu.memory_space<vmem>>, vector<16xf32>,
      %parallel_loop3A_305 = arith.mulf %parallel_loop3A_301, %parallel_loop3A_304 : vector<16xf32>
      %parallel_loop3A_306 = arith.index_cast %parallel_loop3A_291 : i32 to index
      %parallel_loop3A_307 = arith.constant 32 : index
      %parallel_loop3A_308 = tpu.vector_load %arg9[%parallel_loop3A_306, %parallel_loop3A_307] {strides = array<i32>} : memref<64x128xf32, #tpu.memory_space<vmem>>, vector<16xf32>,
      %parallel_loop3A_309 = arith.index_cast %parallel_loop3A_291 : i32 to index
      %parallel_loop3A_310 = arith.constant 32 : index
      %parallel_loop3A_311 = tpu.vector_load %arg13[%parallel_loop3A_309, %parallel_loop3A_310] {strides = array<i32>} : memref<64x128xf32, #tpu.memory_space<vmem>>, vector<16xf32>,
      %parallel_loop3A_312 = arith.mulf %parallel_loop3A_308, %parallel_loop3A_311 : vector<16xf32>
      %parallel_loop3A_313 = arith.index_cast %parallel_loop3A_291 : i32 to index
      %parallel_loop3A_314 = arith.constant 48 : index
      %parallel_loop3A_315 = tpu.vector_load %arg9[%parallel_loop3A_313, %parallel_loop3A_314] {strides = array<i32>} : memref<64x128xf32, #tpu.memory_space<vmem>>, vector<16xf32>,
      %parallel_loop3A_316 = arith.index_cast %parallel_loop3A_291 : i32 to index
      %parallel_loop3A_317 = arith.constant 48 : index
      %parallel_loop3A_318 = tpu.vector_load %arg13[%parallel_loop3A_316, %parallel_loop3A_317] {strides = array<i32>} : memref<64x128xf32, #tpu.memory_space<vmem>>, vector<16xf32>,
      %parallel_loop3A_319 = arith.mulf %parallel_loop3A_315, %parallel_loop3A_318 : vector<16xf32>
      %parallel_loop3A_320 = arith.index_cast %parallel_loop3A_291 : i32 to index
      %parallel_loop3A_321 = arith.constant 64 : index
      %parallel_loop3A_322 = tpu.vector_load %arg9[%parallel_loop3A_320, %parallel_loop3A_321] {strides = array<i32>} : memref<64x128xf32, #tpu.memory_space<vmem>>, vector<16xf32>,
      %parallel_loop3A_323 = arith.index_cast %parallel_loop3A_291 : i32 to index
      %parallel_loop3A_324 = arith.constant 64 : index
      %parallel_loop3A_325 = tpu.vector_load %arg13[%parallel_loop3A_323, %parallel_loop3A_324] {strides = array<i32>} : memref<64x128xf32, #tpu.memory_space<vmem>>, vector<16xf32>,
      %parallel_loop3A_326 = arith.mulf %parallel_loop3A_322, %parallel_loop3A_325 : vector<16xf32>
      %parallel_loop3A_327 = arith.index_cast %parallel_loop3A_291 : i32 to index
      %parallel_loop3A_328 = arith.constant 80 : index
      %parallel_loop3A_329 = tpu.vector_load %arg9[%parallel_loop3A_327, %parallel_loop3A_328] {strides = array<i32>} : memref<64x128xf32, #tpu.memory_space<vmem>>, vector<16xf32>,
      %parallel_loop3A_330 = arith.index_cast %parallel_loop3A_291 : i32 to index
      %parallel_loop3A_331 = arith.constant 80 : index
      %parallel_loop3A_332 = tpu.vector_load %arg13[%parallel_loop3A_330, %parallel_loop3A_331] {strides = array<i32>} : memref<64x128xf32, #tpu.memory_space<vmem>>, vector<16xf32>,
      %parallel_loop3A_333 = arith.mulf %parallel_loop3A_329, %parallel_loop3A_332 : vector<16xf32>
      %parallel_loop3A_334 = arith.index_cast %parallel_loop3A_291 : i32 to index
      %parallel_loop3A_335 = arith.constant 96 : index
      %parallel_loop3A_336 = tpu.vector_load %arg9[%parallel_loop3A_334, %parallel_loop3A_335] {strides = array<i32>} : memref<64x128xf32, #tpu.memory_space<vmem>>, vector<16xf32>,
      %parallel_loop3A_337 = arith.index_cast %parallel_loop3A_291 : i32 to index
      %parallel_loop3A_338 = arith.constant 96 : index
      %parallel_loop3A_339 = tpu.vector_load %arg13[%parallel_loop3A_337, %parallel_loop3A_338] {strides = array<i32>} : memref<64x128xf32, #tpu.memory_space<vmem>>, vector<16xf32>,
      %parallel_loop3A_340 = arith.mulf %parallel_loop3A_336, %parallel_loop3A_339 : vector<16xf32>
      %parallel_loop3A_341 = arith.index_cast %parallel_loop3A_291 : i32 to index
      %parallel_loop3A_342 = arith.constant 112 : index
      %parallel_loop3A_343 = tpu.vector_load %arg9[%parallel_loop3A_341, %parallel_loop3A_342] {strides = array<i32>} : memref<64x128xf32, #tpu.memory_space<vmem>>, vector<16xf32>,
      %parallel_loop3A_344 = arith.index_cast %parallel_loop3A_291 : i32 to index
      %parallel_loop3A_345 = arith.constant 112 : index
      %parallel_loop3A_346 = tpu.vector_load %arg13[%parallel_loop3A_344, %parallel_loop3A_345] {strides = array<i32>} : memref<64x128xf32, #tpu.memory_space<vmem>>, vector<16xf32>,
      %parallel_loop3A_347 = arith.mulf %parallel_loop3A_343, %parallel_loop3A_346 : vector<16xf32>
      %parallel_loop3A_348 = arith.addf %parallel_loop3A_298, %parallel_loop3A_305 : vector<16xf32>
      %parallel_loop3A_349 = arith.addf %parallel_loop3A_312, %parallel_loop3A_319 : vector<16xf32>
      %parallel_loop3A_350 = arith.addf %parallel_loop3A_326, %parallel_loop3A_333 : vector<16xf32>
      %parallel_loop3A_351 = arith.addf %parallel_loop3A_340, %parallel_loop3A_347 : vector<16xf32>
      %parallel_loop3A_352 = arith.addf %parallel_loop3A_348, %parallel_loop3A_349 : vector<16xf32>
      %parallel_loop3A_353 = arith.addf %parallel_loop3A_350, %parallel_loop3A_351 : vector<16xf32>
      %parallel_loop3A_354 = arith.addf %parallel_loop3A_352, %parallel_loop3A_353 : vector<16xf32>
      %parallel_loop3A_355 = arith.constant true
      %parallel_loop3A_356 = vector.broadcast %parallel_loop3A_355 : i1 to vector<16xi1>
      %parallel_loop3A_357 = tpu.scan <sum>, %parallel_loop3A_354 masked %parallel_loop3A_356 : vector<16xf32>, vector<16xi1> -> vector<16xf32>
      %parallel_loop3A_358 = math.exp %parallel_loop3A_357 : vector<16xf32>
      %parallel_loop3A_359 = arith.constant 1.000000e+00 : f32
      %parallel_loop3A_360 = vector.broadcast %parallel_loop3A_359 : f32 to vector<16xf32>
      %parallel_loop3A_361 = arith.addf %parallel_loop3A_360, %parallel_loop3A_358 : vector<16xf32>
      %parallel_loop3A_362 = arith.constant 1.000000e+00 : f32
      %parallel_loop3A_363 = vector.broadcast %parallel_loop3A_362 : f32 to vector<16xf32>
      %parallel_loop3A_364 = arith.divf %parallel_loop3A_363, %parallel_loop3A_361 : vector<16xf32>
      %parallel_loop3A_365 = arith.constant 64 : i32
      %parallel_loop3A_366 = arith.addi %parallel_loop3A_365, %parallel_loop3A_291 : i32
      %parallel_loop3A_367 = vector.broadcast %parallel_loop3A_366 : i32 to vector<16xi32>
      %parallel_loop3A_368 = arith.addi %broadcast_in_dim3A_5, %parallel_loop3A_367 : vector<16xi32>
      tpu.vector_store_idx %arg16[%parallel_loop3A_368], %parallel_loop3A_364 masked %eq3A_4 : memref<512xf32, #tpu.memory_space<vmem>>[vector<16xi32>], vector<16xf32>, vector<16xi1>
    } {sc.loop_unroll_factor = 1 : i64, sc.parallel_access}
    "tpu.trace_stop"() : () -> ()
    %dma_start3A_129 = arith.constant 0 : i32
    %dma_start3A_130 = arith.constant 0 : i32
    %dma_start3A_131 = tpu.memref_slice %arg9[%dma_start3A_129, %dma_start3A_130] : memref<64x128xf32, #tpu.memory_space<vmem>> -> memref<64x128xf32, #tpu.memory_space<vmem>>
    %dma_start3A_132 = arith.constant 320 : i32
    %dma_start3A_133 = tpu.memref_slice %arg6[%dma_start3A_132] : memref<512xi32, #tpu.memory_space<vmem>> -> memref<64xi32, #tpu.memory_space<vmem>>
    %dma_start3A_134 = arith.constant 0 : i32
    %dma_start3A_135 = arith.constant 0 : i32
    %dma_start3A_136 = tpu.memref_slice %arg4[%dma_start3A_134, %dma_start3A_135] : memref<100000x128xf32, #tpu.memory_space<hbm>> -> memref<100000x128xf32, #tpu.memory_space<hbm>>
    tpu.enqueue_indirect_dma source(%dma_start3A_136 : memref<100000x128xf32, #tpu.memory_space<hbm>>) target(%dma_start3A_131 : memref<64x128xf32, #tpu.memory_space<vmem>>) offsets(%dma_start3A_133 : memref<64xi32, #tpu.memory_space<vmem>>) semaphore(%arg18 : memref<!tpu.dma_semaphore, #tpu.memory_space<semaphore_mem>>)
    %dma_start3A_137 = arith.constant 0 : i32
    %dma_start3A_138 = arith.constant 0 : i32
    %dma_start3A_139 = tpu.memref_slice %arg13[%dma_start3A_137, %dma_start3A_138] : memref<64x128xf32, #tpu.memory_space<vmem>> -> memref<64x128xf32, #tpu.memory_space<vmem>>
    %dma_start3A_140 = arith.constant 320 : i32
    %dma_start3A_141 = tpu.memref_slice %arg7[%dma_start3A_140] : memref<512xi32, #tpu.memory_space<vmem>> -> memref<64xi32, #tpu.memory_space<vmem>>
    %dma_start3A_142 = arith.constant 0 : i32
    %dma_start3A_143 = arith.constant 0 : i32
    %dma_start3A_144 = tpu.memref_slice %arg4[%dma_start3A_142, %dma_start3A_143] : memref<100000x128xf32, #tpu.memory_space<hbm>> -> memref<100000x128xf32, #tpu.memory_space<hbm>>
    tpu.enqueue_indirect_dma source(%dma_start3A_144 : memref<100000x128xf32, #tpu.memory_space<hbm>>) target(%dma_start3A_139 : memref<64x128xf32, #tpu.memory_space<vmem>>) offsets(%dma_start3A_141 : memref<64xi32, #tpu.memory_space<vmem>>) semaphore(%arg18 : memref<!tpu.dma_semaphore, #tpu.memory_space<semaphore_mem>>)
    "tpu.trace_start"() <{level = 10 : i32, message = "dma_wait"}> : () -> ()
    %dma_wait3A_145 = arith.constant 0 : i32
    %dma_wait3A_146 = arith.constant 0 : i32
    %dma_wait3A_147 = tpu.memref_slice %arg10[%dma_wait3A_145, %dma_wait3A_146] : memref<64x128xf32, #tpu.memory_space<vmem>> -> memref<64x128xf32, #tpu.memory_space<vmem>>
    %dma_wait3A_148 = arith.constant 128 : i32
    %dma_wait3A_149 = tpu.memref_slice %arg6[%dma_wait3A_148] : memref<512xi32, #tpu.memory_space<vmem>> -> memref<64xi32, #tpu.memory_space<vmem>>
    %dma_wait3A_150 = arith.constant 0 : i32
    %dma_wait3A_151 = arith.constant 0 : i32
    %dma_wait3A_152 = tpu.memref_slice %arg4[%dma_wait3A_150, %dma_wait3A_151] : memref<100000x128xf32, #tpu.memory_space<hbm>> -> memref<100000x128xf32, #tpu.memory_space<hbm>>
    tpu.wait_indirect_dma semaphore(%arg19 : memref<!tpu.dma_semaphore, #tpu.memory_space<semaphore_mem>>) src(%dma_wait3A_152 : memref<100000x128xf32, #tpu.memory_space<hbm>>) dst(%dma_wait3A_147 : memref<64x128xf32, #tpu.memory_space<vmem>>)
    %dma_wait3A_153 = arith.constant 0 : i32
    %dma_wait3A_154 = arith.constant 0 : i32
    %dma_wait3A_155 = tpu.memref_slice %arg14[%dma_wait3A_153, %dma_wait3A_154] : memref<64x128xf32, #tpu.memory_space<vmem>> -> memref<64x128xf32, #tpu.memory_space<vmem>>
    %dma_wait3A_156 = arith.constant 128 : i32
    %dma_wait3A_157 = tpu.memref_slice %arg7[%dma_wait3A_156] : memref<512xi32, #tpu.memory_space<vmem>> -> memref<64xi32, #tpu.memory_space<vmem>>
    %dma_wait3A_158 = arith.constant 0 : i32
    %dma_wait3A_159 = arith.constant 0 : i32
    %dma_wait3A_160 = tpu.memref_slice %arg4[%dma_wait3A_158, %dma_wait3A_159] : memref<100000x128xf32, #tpu.memory_space<hbm>> -> memref<100000x128xf32, #tpu.memory_space<hbm>>
    tpu.wait_indirect_dma semaphore(%arg19 : memref<!tpu.dma_semaphore, #tpu.memory_space<semaphore_mem>>) src(%dma_wait3A_160 : memref<100000x128xf32, #tpu.memory_space<hbm>>) dst(%dma_wait3A_155 : memref<64x128xf32, #tpu.memory_space<vmem>>)
    %parallel_loop3A_161 = arith.constant 0 : i32
    %parallel_loop3A_162 = arith.constant 64 : i32
    %parallel_loop3A_163 = arith.constant 1 : i32
    "tpu.trace_stop"() : () -> ()
    "tpu.trace_start"() <{level = 10 : i32, message = "compute"}> : () -> ()
    scf.for %parallel_loop3A_291 = %parallel_loop3A_161 to %parallel_loop3A_162 step %parallel_loop3A_163  : i32 {
      %parallel_loop3A_292 = arith.index_cast %parallel_loop3A_291 : i32 to index
      %parallel_loop3A_293 = arith.constant 0 : index
      %parallel_loop3A_294 = tpu.vector_load %arg10[%parallel_loop3A_292, %parallel_loop3A_293] {strides = array<i32>} : memref<64x128xf32, #tpu.memory_space<vmem>>, vector<16xf32>,
      %parallel_loop3A_295 = arith.index_cast %parallel_loop3A_291 : i32 to index
      %parallel_loop3A_296 = arith.constant 0 : index
      %parallel_loop3A_297 = tpu.vector_load %arg14[%parallel_loop3A_295, %parallel_loop3A_296] {strides = array<i32>} : memref<64x128xf32, #tpu.memory_space<vmem>>, vector<16xf32>,
      %parallel_loop3A_298 = arith.mulf %parallel_loop3A_294, %parallel_loop3A_297 : vector<16xf32>
      %parallel_loop3A_299 = arith.index_cast %parallel_loop3A_291 : i32 to index
      %parallel_loop3A_300 = arith.constant 16 : index
      %parallel_loop3A_301 = tpu.vector_load %arg10[%parallel_loop3A_299, %parallel_loop3A_300] {strides = array<i32>} : memref<64x128xf32, #tpu.memory_space<vmem>>, vector<16xf32>,
      %parallel_loop3A_302 = arith.index_cast %parallel_loop3A_291 : i32 to index
      %parallel_loop3A_303 = arith.constant 16 : index
      %parallel_loop3A_304 = tpu.vector_load %arg14[%parallel_loop3A_302, %parallel_loop3A_303] {strides = array<i32>} : memref<64x128xf32, #tpu.memory_space<vmem>>, vector<16xf32>,
      %parallel_loop3A_305 = arith.mulf %parallel_loop3A_301, %parallel_loop3A_304 : vector<16xf32>
      %parallel_loop3A_306 = arith.index_cast %parallel_loop3A_291 : i32 to index
      %parallel_loop3A_307 = arith.constant 32 : index
      %parallel_loop3A_308 = tpu.vector_load %arg10[%parallel_loop3A_306, %parallel_loop3A_307] {strides = array<i32>} : memref<64x128xf32, #tpu.memory_space<vmem>>, vector<16xf32>,
      %parallel_loop3A_309 = arith.index_cast %parallel_loop3A_291 : i32 to index
      %parallel_loop3A_310 = arith.constant 32 : index
      %parallel_loop3A_311 = tpu.vector_load %arg14[%parallel_loop3A_309, %parallel_loop3A_310] {strides = array<i32>} : memref<64x128xf32, #tpu.memory_space<vmem>>, vector<16xf32>,
      %parallel_loop3A_312 = arith.mulf %parallel_loop3A_308, %parallel_loop3A_311 : vector<16xf32>
      %parallel_loop3A_313 = arith.index_cast %parallel_loop3A_291 : i32 to index
      %parallel_loop3A_314 = arith.constant 48 : index
      %parallel_loop3A_315 = tpu.vector_load %arg10[%parallel_loop3A_313, %parallel_loop3A_314] {strides = array<i32>} : memref<64x128xf32, #tpu.memory_space<vmem>>, vector<16xf32>,
      %parallel_loop3A_316 = arith.index_cast %parallel_loop3A_291 : i32 to index
      %parallel_loop3A_317 = arith.constant 48 : index
      %parallel_loop3A_318 = tpu.vector_load %arg14[%parallel_loop3A_316, %parallel_loop3A_317] {strides = array<i32>} : memref<64x128xf32, #tpu.memory_space<vmem>>, vector<16xf32>,
      %parallel_loop3A_319 = arith.mulf %parallel_loop3A_315, %parallel_loop3A_318 : vector<16xf32>
      %parallel_loop3A_320 = arith.index_cast %parallel_loop3A_291 : i32 to index
      %parallel_loop3A_321 = arith.constant 64 : index
      %parallel_loop3A_322 = tpu.vector_load %arg10[%parallel_loop3A_320, %parallel_loop3A_321] {strides = array<i32>} : memref<64x128xf32, #tpu.memory_space<vmem>>, vector<16xf32>,
      %parallel_loop3A_323 = arith.index_cast %parallel_loop3A_291 : i32 to index
      %parallel_loop3A_324 = arith.constant 64 : index
      %parallel_loop3A_325 = tpu.vector_load %arg14[%parallel_loop3A_323, %parallel_loop3A_324] {strides = array<i32>} : memref<64x128xf32, #tpu.memory_space<vmem>>, vector<16xf32>,
      %parallel_loop3A_326 = arith.mulf %parallel_loop3A_322, %parallel_loop3A_325 : vector<16xf32>
      %parallel_loop3A_327 = arith.index_cast %parallel_loop3A_291 : i32 to index
      %parallel_loop3A_328 = arith.constant 80 : index
      %parallel_loop3A_329 = tpu.vector_load %arg10[%parallel_loop3A_327, %parallel_loop3A_328] {strides = array<i32>} : memref<64x128xf32, #tpu.memory_space<vmem>>, vector<16xf32>,
      %parallel_loop3A_330 = arith.index_cast %parallel_loop3A_291 : i32 to index
      %parallel_loop3A_331 = arith.constant 80 : index
      %parallel_loop3A_332 = tpu.vector_load %arg14[%parallel_loop3A_330, %parallel_loop3A_331] {strides = array<i32>} : memref<64x128xf32, #tpu.memory_space<vmem>>, vector<16xf32>,
      %parallel_loop3A_333 = arith.mulf %parallel_loop3A_329, %parallel_loop3A_332 : vector<16xf32>
      %parallel_loop3A_334 = arith.index_cast %parallel_loop3A_291 : i32 to index
      %parallel_loop3A_335 = arith.constant 96 : index
      %parallel_loop3A_336 = tpu.vector_load %arg10[%parallel_loop3A_334, %parallel_loop3A_335] {strides = array<i32>} : memref<64x128xf32, #tpu.memory_space<vmem>>, vector<16xf32>,
      %parallel_loop3A_337 = arith.index_cast %parallel_loop3A_291 : i32 to index
      %parallel_loop3A_338 = arith.constant 96 : index
      %parallel_loop3A_339 = tpu.vector_load %arg14[%parallel_loop3A_337, %parallel_loop3A_338] {strides = array<i32>} : memref<64x128xf32, #tpu.memory_space<vmem>>, vector<16xf32>,
      %parallel_loop3A_340 = arith.mulf %parallel_loop3A_336, %parallel_loop3A_339 : vector<16xf32>
      %parallel_loop3A_341 = arith.index_cast %parallel_loop3A_291 : i32 to index
      %parallel_loop3A_342 = arith.constant 112 : index
      %parallel_loop3A_343 = tpu.vector_load %arg10[%parallel_loop3A_341, %parallel_loop3A_342] {strides = array<i32>} : memref<64x128xf32, #tpu.memory_space<vmem>>, vector<16xf32>,
      %parallel_loop3A_344 = arith.index_cast %parallel_loop3A_291 : i32 to index
      %parallel_loop3A_345 = arith.constant 112 : index
      %parallel_loop3A_346 = tpu.vector_load %arg14[%parallel_loop3A_344, %parallel_loop3A_345] {strides = array<i32>} : memref<64x128xf32, #tpu.memory_space<vmem>>, vector<16xf32>,
      %parallel_loop3A_347 = arith.mulf %parallel_loop3A_343, %parallel_loop3A_346 : vector<16xf32>
      %parallel_loop3A_348 = arith.addf %parallel_loop3A_298, %parallel_loop3A_305 : vector<16xf32>
      %parallel_loop3A_349 = arith.addf %parallel_loop3A_312, %parallel_loop3A_319 : vector<16xf32>
      %parallel_loop3A_350 = arith.addf %parallel_loop3A_326, %parallel_loop3A_333 : vector<16xf32>
      %parallel_loop3A_351 = arith.addf %parallel_loop3A_340, %parallel_loop3A_347 : vector<16xf32>
      %parallel_loop3A_352 = arith.addf %parallel_loop3A_348, %parallel_loop3A_349 : vector<16xf32>
      %parallel_loop3A_353 = arith.addf %parallel_loop3A_350, %parallel_loop3A_351 : vector<16xf32>
      %parallel_loop3A_354 = arith.addf %parallel_loop3A_352, %parallel_loop3A_353 : vector<16xf32>
      %parallel_loop3A_355 = arith.constant true
      %parallel_loop3A_356 = vector.broadcast %parallel_loop3A_355 : i1 to vector<16xi1>
      %parallel_loop3A_357 = tpu.scan <sum>, %parallel_loop3A_354 masked %parallel_loop3A_356 : vector<16xf32>, vector<16xi1> -> vector<16xf32>
      %parallel_loop3A_358 = math.exp %parallel_loop3A_357 : vector<16xf32>
      %parallel_loop3A_359 = arith.constant 1.000000e+00 : f32
      %parallel_loop3A_360 = vector.broadcast %parallel_loop3A_359 : f32 to vector<16xf32>
      %parallel_loop3A_361 = arith.addf %parallel_loop3A_360, %parallel_loop3A_358 : vector<16xf32>
      %parallel_loop3A_362 = arith.constant 1.000000e+00 : f32
      %parallel_loop3A_363 = vector.broadcast %parallel_loop3A_362 : f32 to vector<16xf32>
      %parallel_loop3A_364 = arith.divf %parallel_loop3A_363, %parallel_loop3A_361 : vector<16xf32>
      %parallel_loop3A_365 = arith.constant 128 : i32
      %parallel_loop3A_366 = arith.addi %parallel_loop3A_365, %parallel_loop3A_291 : i32
      %parallel_loop3A_367 = vector.broadcast %parallel_loop3A_366 : i32 to vector<16xi32>
      %parallel_loop3A_368 = arith.addi %broadcast_in_dim3A_5, %parallel_loop3A_367 : vector<16xi32>
      tpu.vector_store_idx %arg16[%parallel_loop3A_368], %parallel_loop3A_364 masked %eq3A_4 : memref<512xf32, #tpu.memory_space<vmem>>[vector<16xi32>], vector<16xf32>, vector<16xi1>
    } {sc.loop_unroll_factor = 1 : i64, sc.parallel_access}
    "tpu.trace_stop"() : () -> ()
    %dma_start3A_164 = arith.constant 0 : i32
    %dma_start3A_165 = arith.constant 0 : i32
    %dma_start3A_166 = tpu.memref_slice %arg10[%dma_start3A_164, %dma_start3A_165] : memref<64x128xf32, #tpu.memory_space<vmem>> -> memref<64x128xf32, #tpu.memory_space<vmem>>
    %dma_start3A_167 = arith.constant 384 : i32
    %dma_start3A_168 = tpu.memref_slice %arg6[%dma_start3A_167] : memref<512xi32, #tpu.memory_space<vmem>> -> memref<64xi32, #tpu.memory_space<vmem>>
    %dma_start3A_169 = arith.constant 0 : i32
    %dma_start3A_170 = arith.constant 0 : i32
    %dma_start3A_171 = tpu.memref_slice %arg4[%dma_start3A_169, %dma_start3A_170] : memref<100000x128xf32, #tpu.memory_space<hbm>> -> memref<100000x128xf32, #tpu.memory_space<hbm>>
    tpu.enqueue_indirect_dma source(%dma_start3A_171 : memref<100000x128xf32, #tpu.memory_space<hbm>>) target(%dma_start3A_166 : memref<64x128xf32, #tpu.memory_space<vmem>>) offsets(%dma_start3A_168 : memref<64xi32, #tpu.memory_space<vmem>>) semaphore(%arg19 : memref<!tpu.dma_semaphore, #tpu.memory_space<semaphore_mem>>)
    %dma_start3A_172 = arith.constant 0 : i32
    %dma_start3A_173 = arith.constant 0 : i32
    %dma_start3A_174 = tpu.memref_slice %arg14[%dma_start3A_172, %dma_start3A_173] : memref<64x128xf32, #tpu.memory_space<vmem>> -> memref<64x128xf32, #tpu.memory_space<vmem>>
    %dma_start3A_175 = arith.constant 384 : i32
    %dma_start3A_176 = tpu.memref_slice %arg7[%dma_start3A_175] : memref<512xi32, #tpu.memory_space<vmem>> -> memref<64xi32, #tpu.memory_space<vmem>>
    %dma_start3A_177 = arith.constant 0 : i32
    %dma_start3A_178 = arith.constant 0 : i32
    %dma_start3A_179 = tpu.memref_slice %arg4[%dma_start3A_177, %dma_start3A_178] : memref<100000x128xf32, #tpu.memory_space<hbm>> -> memref<100000x128xf32, #tpu.memory_space<hbm>>
    tpu.enqueue_indirect_dma source(%dma_start3A_179 : memref<100000x128xf32, #tpu.memory_space<hbm>>) target(%dma_start3A_174 : memref<64x128xf32, #tpu.memory_space<vmem>>) offsets(%dma_start3A_176 : memref<64xi32, #tpu.memory_space<vmem>>) semaphore(%arg19 : memref<!tpu.dma_semaphore, #tpu.memory_space<semaphore_mem>>)
    "tpu.trace_start"() <{level = 10 : i32, message = "dma_wait"}> : () -> ()
    %dma_wait3A_180 = arith.constant 0 : i32
    %dma_wait3A_181 = arith.constant 0 : i32
    %dma_wait3A_182 = tpu.memref_slice %arg11[%dma_wait3A_180, %dma_wait3A_181] : memref<64x128xf32, #tpu.memory_space<vmem>> -> memref<64x128xf32, #tpu.memory_space<vmem>>
    %dma_wait3A_183 = arith.constant 192 : i32
    %dma_wait3A_184 = tpu.memref_slice %arg6[%dma_wait3A_183] : memref<512xi32, #tpu.memory_space<vmem>> -> memref<64xi32, #tpu.memory_space<vmem>>
    %dma_wait3A_185 = arith.constant 0 : i32
    %dma_wait3A_186 = arith.constant 0 : i32
    %dma_wait3A_187 = tpu.memref_slice %arg4[%dma_wait3A_185, %dma_wait3A_186] : memref<100000x128xf32, #tpu.memory_space<hbm>> -> memref<100000x128xf32, #tpu.memory_space<hbm>>
    tpu.wait_indirect_dma semaphore(%arg20 : memref<!tpu.dma_semaphore, #tpu.memory_space<semaphore_mem>>) src(%dma_wait3A_187 : memref<100000x128xf32, #tpu.memory_space<hbm>>) dst(%dma_wait3A_182 : memref<64x128xf32, #tpu.memory_space<vmem>>)
    %dma_wait3A_188 = arith.constant 0 : i32
    %dma_wait3A_189 = arith.constant 0 : i32
    %dma_wait3A_190 = tpu.memref_slice %arg15[%dma_wait3A_188, %dma_wait3A_189] : memref<64x128xf32, #tpu.memory_space<vmem>> -> memref<64x128xf32, #tpu.memory_space<vmem>>
    %dma_wait3A_191 = arith.constant 192 : i32
    %dma_wait3A_192 = tpu.memref_slice %arg7[%dma_wait3A_191] : memref<512xi32, #tpu.memory_space<vmem>> -> memref<64xi32, #tpu.memory_space<vmem>>
    %dma_wait3A_193 = arith.constant 0 : i32
    %dma_wait3A_194 = arith.constant 0 : i32
    %dma_wait3A_195 = tpu.memref_slice %arg4[%dma_wait3A_193, %dma_wait3A_194] : memref<100000x128xf32, #tpu.memory_space<hbm>> -> memref<100000x128xf32, #tpu.memory_space<hbm>>
    tpu.wait_indirect_dma semaphore(%arg20 : memref<!tpu.dma_semaphore, #tpu.memory_space<semaphore_mem>>) src(%dma_wait3A_195 : memref<100000x128xf32, #tpu.memory_space<hbm>>) dst(%dma_wait3A_190 : memref<64x128xf32, #tpu.memory_space<vmem>>)
    %parallel_loop3A_196 = arith.constant 0 : i32
    %parallel_loop3A_197 = arith.constant 64 : i32
    %parallel_loop3A_198 = arith.constant 1 : i32
    "tpu.trace_stop"() : () -> ()
    "tpu.trace_start"() <{level = 10 : i32, message = "compute"}> : () -> ()
    scf.for %parallel_loop3A_291 = %parallel_loop3A_196 to %parallel_loop3A_197 step %parallel_loop3A_198  : i32 {
      %parallel_loop3A_292 = arith.index_cast %parallel_loop3A_291 : i32 to index
      %parallel_loop3A_293 = arith.constant 0 : index
      %parallel_loop3A_294 = tpu.vector_load %arg11[%parallel_loop3A_292, %parallel_loop3A_293] {strides = array<i32>} : memref<64x128xf32, #tpu.memory_space<vmem>>, vector<16xf32>,
      %parallel_loop3A_295 = arith.index_cast %parallel_loop3A_291 : i32 to index
      %parallel_loop3A_296 = arith.constant 0 : index
      %parallel_loop3A_297 = tpu.vector_load %arg15[%parallel_loop3A_295, %parallel_loop3A_296] {strides = array<i32>} : memref<64x128xf32, #tpu.memory_space<vmem>>, vector<16xf32>,
      %parallel_loop3A_298 = arith.mulf %parallel_loop3A_294, %parallel_loop3A_297 : vector<16xf32>
      %parallel_loop3A_299 = arith.index_cast %parallel_loop3A_291 : i32 to index
      %parallel_loop3A_300 = arith.constant 16 : index
      %parallel_loop3A_301 = tpu.vector_load %arg11[%parallel_loop3A_299, %parallel_loop3A_300] {strides = array<i32>} : memref<64x128xf32, #tpu.memory_space<vmem>>, vector<16xf32>,
      %parallel_loop3A_302 = arith.index_cast %parallel_loop3A_291 : i32 to index
      %parallel_loop3A_303 = arith.constant 16 : index
      %parallel_loop3A_304 = tpu.vector_load %arg15[%parallel_loop3A_302, %parallel_loop3A_303] {strides = array<i32>} : memref<64x128xf32, #tpu.memory_space<vmem>>, vector<16xf32>,
      %parallel_loop3A_305 = arith.mulf %parallel_loop3A_301, %parallel_loop3A_304 : vector<16xf32>
      %parallel_loop3A_306 = arith.index_cast %parallel_loop3A_291 : i32 to index
      %parallel_loop3A_307 = arith.constant 32 : index
      %parallel_loop3A_308 = tpu.vector_load %arg11[%parallel_loop3A_306, %parallel_loop3A_307] {strides = array<i32>} : memref<64x128xf32, #tpu.memory_space<vmem>>, vector<16xf32>,
      %parallel_loop3A_309 = arith.index_cast %parallel_loop3A_291 : i32 to index
      %parallel_loop3A_310 = arith.constant 32 : index
      %parallel_loop3A_311 = tpu.vector_load %arg15[%parallel_loop3A_309, %parallel_loop3A_310] {strides = array<i32>} : memref<64x128xf32, #tpu.memory_space<vmem>>, vector<16xf32>,
      %parallel_loop3A_312 = arith.mulf %parallel_loop3A_308, %parallel_loop3A_311 : vector<16xf32>
      %parallel_loop3A_313 = arith.index_cast %parallel_loop3A_291 : i32 to index
      %parallel_loop3A_314 = arith.constant 48 : index
      %parallel_loop3A_315 = tpu.vector_load %arg11[%parallel_loop3A_313, %parallel_loop3A_314] {strides = array<i32>} : memref<64x128xf32, #tpu.memory_space<vmem>>, vector<16xf32>,
      %parallel_loop3A_316 = arith.index_cast %parallel_loop3A_291 : i32 to index
      %parallel_loop3A_317 = arith.constant 48 : index
      %parallel_loop3A_318 = tpu.vector_load %arg15[%parallel_loop3A_316, %parallel_loop3A_317] {strides = array<i32>} : memref<64x128xf32, #tpu.memory_space<vmem>>, vector<16xf32>,
      %parallel_loop3A_319 = arith.mulf %parallel_loop3A_315, %parallel_loop3A_318 : vector<16xf32>
      %parallel_loop3A_320 = arith.index_cast %parallel_loop3A_291 : i32 to index
      %parallel_loop3A_321 = arith.constant 64 : index
      %parallel_loop3A_322 = tpu.vector_load %arg11[%parallel_loop3A_320, %parallel_loop3A_321] {strides = array<i32>} : memref<64x128xf32, #tpu.memory_space<vmem>>, vector<16xf32>,
      %parallel_loop3A_323 = arith.index_cast %parallel_loop3A_291 : i32 to index
      %parallel_loop3A_324 = arith.constant 64 : index
      %parallel_loop3A_325 = tpu.vector_load %arg15[%parallel_loop3A_323, %parallel_loop3A_324] {strides = array<i32>} : memref<64x128xf32, #tpu.memory_space<vmem>>, vector<16xf32>,
      %parallel_loop3A_326 = arith.mulf %parallel_loop3A_322, %parallel_loop3A_325 : vector<16xf32>
      %parallel_loop3A_327 = arith.index_cast %parallel_loop3A_291 : i32 to index
      %parallel_loop3A_328 = arith.constant 80 : index
      %parallel_loop3A_329 = tpu.vector_load %arg11[%parallel_loop3A_327, %parallel_loop3A_328] {strides = array<i32>} : memref<64x128xf32, #tpu.memory_space<vmem>>, vector<16xf32>,
      %parallel_loop3A_330 = arith.index_cast %parallel_loop3A_291 : i32 to index
      %parallel_loop3A_331 = arith.constant 80 : index
      %parallel_loop3A_332 = tpu.vector_load %arg15[%parallel_loop3A_330, %parallel_loop3A_331] {strides = array<i32>} : memref<64x128xf32, #tpu.memory_space<vmem>>, vector<16xf32>,
      %parallel_loop3A_333 = arith.mulf %parallel_loop3A_329, %parallel_loop3A_332 : vector<16xf32>
      %parallel_loop3A_334 = arith.index_cast %parallel_loop3A_291 : i32 to index
      %parallel_loop3A_335 = arith.constant 96 : index
      %parallel_loop3A_336 = tpu.vector_load %arg11[%parallel_loop3A_334, %parallel_loop3A_335] {strides = array<i32>} : memref<64x128xf32, #tpu.memory_space<vmem>>, vector<16xf32>,
      %parallel_loop3A_337 = arith.index_cast %parallel_loop3A_291 : i32 to index
      %parallel_loop3A_338 = arith.constant 96 : index
      %parallel_loop3A_339 = tpu.vector_load %arg15[%parallel_loop3A_337, %parallel_loop3A_338] {strides = array<i32>} : memref<64x128xf32, #tpu.memory_space<vmem>>, vector<16xf32>,
      %parallel_loop3A_340 = arith.mulf %parallel_loop3A_336, %parallel_loop3A_339 : vector<16xf32>
      %parallel_loop3A_341 = arith.index_cast %parallel_loop3A_291 : i32 to index
      %parallel_loop3A_342 = arith.constant 112 : index
      %parallel_loop3A_343 = tpu.vector_load %arg11[%parallel_loop3A_341, %parallel_loop3A_342] {strides = array<i32>} : memref<64x128xf32, #tpu.memory_space<vmem>>, vector<16xf32>,
      %parallel_loop3A_344 = arith.index_cast %parallel_loop3A_291 : i32 to index
      %parallel_loop3A_345 = arith.constant 112 : index
      %parallel_loop3A_346 = tpu.vector_load %arg15[%parallel_loop3A_344, %parallel_loop3A_345] {strides = array<i32>} : memref<64x128xf32, #tpu.memory_space<vmem>>, vector<16xf32>,
      %parallel_loop3A_347 = arith.mulf %parallel_loop3A_343, %parallel_loop3A_346 : vector<16xf32>
      %parallel_loop3A_348 = arith.addf %parallel_loop3A_298, %parallel_loop3A_305 : vector<16xf32>
      %parallel_loop3A_349 = arith.addf %parallel_loop3A_312, %parallel_loop3A_319 : vector<16xf32>
      %parallel_loop3A_350 = arith.addf %parallel_loop3A_326, %parallel_loop3A_333 : vector<16xf32>
      %parallel_loop3A_351 = arith.addf %parallel_loop3A_340, %parallel_loop3A_347 : vector<16xf32>
      %parallel_loop3A_352 = arith.addf %parallel_loop3A_348, %parallel_loop3A_349 : vector<16xf32>
      %parallel_loop3A_353 = arith.addf %parallel_loop3A_350, %parallel_loop3A_351 : vector<16xf32>
      %parallel_loop3A_354 = arith.addf %parallel_loop3A_352, %parallel_loop3A_353 : vector<16xf32>
      %parallel_loop3A_355 = arith.constant true
      %parallel_loop3A_356 = vector.broadcast %parallel_loop3A_355 : i1 to vector<16xi1>
      %parallel_loop3A_357 = tpu.scan <sum>, %parallel_loop3A_354 masked %parallel_loop3A_356 : vector<16xf32>, vector<16xi1> -> vector<16xf32>
      %parallel_loop3A_358 = math.exp %parallel_loop3A_357 : vector<16xf32>
      %parallel_loop3A_359 = arith.constant 1.000000e+00 : f32
      %parallel_loop3A_360 = vector.broadcast %parallel_loop3A_359 : f32 to vector<16xf32>
      %parallel_loop3A_361 = arith.addf %parallel_loop3A_360, %parallel_loop3A_358 : vector<16xf32>
      %parallel_loop3A_362 = arith.constant 1.000000e+00 : f32
      %parallel_loop3A_363 = vector.broadcast %parallel_loop3A_362 : f32 to vector<16xf32>
      %parallel_loop3A_364 = arith.divf %parallel_loop3A_363, %parallel_loop3A_361 : vector<16xf32>
      %parallel_loop3A_365 = arith.constant 192 : i32
      %parallel_loop3A_366 = arith.addi %parallel_loop3A_365, %parallel_loop3A_291 : i32
      %parallel_loop3A_367 = vector.broadcast %parallel_loop3A_366 : i32 to vector<16xi32>
      %parallel_loop3A_368 = arith.addi %broadcast_in_dim3A_5, %parallel_loop3A_367 : vector<16xi32>
      tpu.vector_store_idx %arg16[%parallel_loop3A_368], %parallel_loop3A_364 masked %eq3A_4 : memref<512xf32, #tpu.memory_space<vmem>>[vector<16xi32>], vector<16xf32>, vector<16xi1>
    } {sc.loop_unroll_factor = 1 : i64, sc.parallel_access}
    "tpu.trace_stop"() : () -> ()
    %dma_start3A_199 = arith.constant 0 : i32
    %dma_start3A_200 = arith.constant 0 : i32
    %dma_start3A_201 = tpu.memref_slice %arg11[%dma_start3A_199, %dma_start3A_200] : memref<64x128xf32, #tpu.memory_space<vmem>> -> memref<64x128xf32, #tpu.memory_space<vmem>>
    %dma_start3A_202 = arith.constant 448 : i32
    %dma_start3A_203 = tpu.memref_slice %arg6[%dma_start3A_202] : memref<512xi32, #tpu.memory_space<vmem>> -> memref<64xi32, #tpu.memory_space<vmem>>
    %dma_start3A_204 = arith.constant 0 : i32
    %dma_start3A_205 = arith.constant 0 : i32
    %dma_start3A_206 = tpu.memref_slice %arg4[%dma_start3A_204, %dma_start3A_205] : memref<100000x128xf32, #tpu.memory_space<hbm>> -> memref<100000x128xf32, #tpu.memory_space<hbm>>
    tpu.enqueue_indirect_dma source(%dma_start3A_206 : memref<100000x128xf32, #tpu.memory_space<hbm>>) target(%dma_start3A_201 : memref<64x128xf32, #tpu.memory_space<vmem>>) offsets(%dma_start3A_203 : memref<64xi32, #tpu.memory_space<vmem>>) semaphore(%arg20 : memref<!tpu.dma_semaphore, #tpu.memory_space<semaphore_mem>>)
    %dma_start3A_207 = arith.constant 0 : i32
    %dma_start3A_208 = arith.constant 0 : i32
    %dma_start3A_209 = tpu.memref_slice %arg15[%dma_start3A_207, %dma_start3A_208] : memref<64x128xf32, #tpu.memory_space<vmem>> -> memref<64x128xf32, #tpu.memory_space<vmem>>
    %dma_start3A_210 = arith.constant 448 : i32
    %dma_start3A_211 = tpu.memref_slice %arg7[%dma_start3A_210] : memref<512xi32, #tpu.memory_space<vmem>> -> memref<64xi32, #tpu.memory_space<vmem>>
    %dma_start3A_212 = arith.constant 0 : i32
    %dma_start3A_213 = arith.constant 0 : i32
    %dma_start3A_214 = tpu.memref_slice %arg4[%dma_start3A_212, %dma_start3A_213] : memref<100000x128xf32, #tpu.memory_space<hbm>> -> memref<100000x128xf32, #tpu.memory_space<hbm>>
    tpu.enqueue_indirect_dma source(%dma_start3A_214 : memref<100000x128xf32, #tpu.memory_space<hbm>>) target(%dma_start3A_209 : memref<64x128xf32, #tpu.memory_space<vmem>>) offsets(%dma_start3A_211 : memref<64xi32, #tpu.memory_space<vmem>>) semaphore(%arg20 : memref<!tpu.dma_semaphore, #tpu.memory_space<semaphore_mem>>)
    "tpu.trace_start"() <{level = 10 : i32, message = "dma_wait"}> : () -> ()
    %dma_wait3A_215 = arith.constant 0 : i32
    %dma_wait3A_216 = arith.constant 0 : i32
    %dma_wait3A_217 = tpu.memref_slice %arg8[%dma_wait3A_215, %dma_wait3A_216] : memref<64x128xf32, #tpu.memory_space<vmem>> -> memref<64x128xf32, #tpu.memory_space<vmem>>
    %dma_wait3A_218 = arith.constant 256 : i32
    %dma_wait3A_219 = tpu.memref_slice %arg6[%dma_wait3A_218] : memref<512xi32, #tpu.memory_space<vmem>> -> memref<64xi32, #tpu.memory_space<vmem>>
    %dma_wait3A_220 = arith.constant 0 : i32
    %dma_wait3A_221 = arith.constant 0 : i32
    %dma_wait3A_222 = tpu.memref_slice %arg4[%dma_wait3A_220, %dma_wait3A_221] : memref<100000x128xf32, #tpu.memory_space<hbm>> -> memref<100000x128xf32, #tpu.memory_space<hbm>>
    tpu.wait_indirect_dma semaphore(%arg17 : memref<!tpu.dma_semaphore, #tpu.memory_space<semaphore_mem>>) src(%dma_wait3A_222 : memref<100000x128xf32, #tpu.memory_space<hbm>>) dst(%dma_wait3A_217 : memref<64x128xf32, #tpu.memory_space<vmem>>)
    %dma_wait3A_223 = arith.constant 0 : i32
    %dma_wait3A_224 = arith.constant 0 : i32
    %dma_wait3A_225 = tpu.memref_slice %arg12[%dma_wait3A_223, %dma_wait3A_224] : memref<64x128xf32, #tpu.memory_space<vmem>> -> memref<64x128xf32, #tpu.memory_space<vmem>>
    %dma_wait3A_226 = arith.constant 256 : i32
    %dma_wait3A_227 = tpu.memref_slice %arg7[%dma_wait3A_226] : memref<512xi32, #tpu.memory_space<vmem>> -> memref<64xi32, #tpu.memory_space<vmem>>
    %dma_wait3A_228 = arith.constant 0 : i32
    %dma_wait3A_229 = arith.constant 0 : i32
    %dma_wait3A_230 = tpu.memref_slice %arg4[%dma_wait3A_228, %dma_wait3A_229] : memref<100000x128xf32, #tpu.memory_space<hbm>> -> memref<100000x128xf32, #tpu.memory_space<hbm>>
    tpu.wait_indirect_dma semaphore(%arg17 : memref<!tpu.dma_semaphore, #tpu.memory_space<semaphore_mem>>) src(%dma_wait3A_230 : memref<100000x128xf32, #tpu.memory_space<hbm>>) dst(%dma_wait3A_225 : memref<64x128xf32, #tpu.memory_space<vmem>>)
    %parallel_loop3A_231 = arith.constant 0 : i32
    %parallel_loop3A_232 = arith.constant 64 : i32
    %parallel_loop3A_233 = arith.constant 1 : i32
    "tpu.trace_stop"() : () -> ()
    "tpu.trace_start"() <{level = 10 : i32, message = "compute"}> : () -> ()
    scf.for %parallel_loop3A_291 = %parallel_loop3A_231 to %parallel_loop3A_232 step %parallel_loop3A_233  : i32 {
      %parallel_loop3A_292 = arith.index_cast %parallel_loop3A_291 : i32 to index
      %parallel_loop3A_293 = arith.constant 0 : index
      %parallel_loop3A_294 = tpu.vector_load %arg8[%parallel_loop3A_292, %parallel_loop3A_293] {strides = array<i32>} : memref<64x128xf32, #tpu.memory_space<vmem>>, vector<16xf32>,
      %parallel_loop3A_295 = arith.index_cast %parallel_loop3A_291 : i32 to index
      %parallel_loop3A_296 = arith.constant 0 : index
      %parallel_loop3A_297 = tpu.vector_load %arg12[%parallel_loop3A_295, %parallel_loop3A_296] {strides = array<i32>} : memref<64x128xf32, #tpu.memory_space<vmem>>, vector<16xf32>,
      %parallel_loop3A_298 = arith.mulf %parallel_loop3A_294, %parallel_loop3A_297 : vector<16xf32>
      %parallel_loop3A_299 = arith.index_cast %parallel_loop3A_291 : i32 to index
      %parallel_loop3A_300 = arith.constant 16 : index
      %parallel_loop3A_301 = tpu.vector_load %arg8[%parallel_loop3A_299, %parallel_loop3A_300] {strides = array<i32>} : memref<64x128xf32, #tpu.memory_space<vmem>>, vector<16xf32>,
      %parallel_loop3A_302 = arith.index_cast %parallel_loop3A_291 : i32 to index
      %parallel_loop3A_303 = arith.constant 16 : index
      %parallel_loop3A_304 = tpu.vector_load %arg12[%parallel_loop3A_302, %parallel_loop3A_303] {strides = array<i32>} : memref<64x128xf32, #tpu.memory_space<vmem>>, vector<16xf32>,
      %parallel_loop3A_305 = arith.mulf %parallel_loop3A_301, %parallel_loop3A_304 : vector<16xf32>
      %parallel_loop3A_306 = arith.index_cast %parallel_loop3A_291 : i32 to index
      %parallel_loop3A_307 = arith.constant 32 : index
      %parallel_loop3A_308 = tpu.vector_load %arg8[%parallel_loop3A_306, %parallel_loop3A_307] {strides = array<i32>} : memref<64x128xf32, #tpu.memory_space<vmem>>, vector<16xf32>,
      %parallel_loop3A_309 = arith.index_cast %parallel_loop3A_291 : i32 to index
      %parallel_loop3A_310 = arith.constant 32 : index
      %parallel_loop3A_311 = tpu.vector_load %arg12[%parallel_loop3A_309, %parallel_loop3A_310] {strides = array<i32>} : memref<64x128xf32, #tpu.memory_space<vmem>>, vector<16xf32>,
      %parallel_loop3A_312 = arith.mulf %parallel_loop3A_308, %parallel_loop3A_311 : vector<16xf32>
      %parallel_loop3A_313 = arith.index_cast %parallel_loop3A_291 : i32 to index
      %parallel_loop3A_314 = arith.constant 48 : index
      %parallel_loop3A_315 = tpu.vector_load %arg8[%parallel_loop3A_313, %parallel_loop3A_314] {strides = array<i32>} : memref<64x128xf32, #tpu.memory_space<vmem>>, vector<16xf32>,
      %parallel_loop3A_316 = arith.index_cast %parallel_loop3A_291 : i32 to index
      %parallel_loop3A_317 = arith.constant 48 : index
      %parallel_loop3A_318 = tpu.vector_load %arg12[%parallel_loop3A_316, %parallel_loop3A_317] {strides = array<i32>} : memref<64x128xf32, #tpu.memory_space<vmem>>, vector<16xf32>,
      %parallel_loop3A_319 = arith.mulf %parallel_loop3A_315, %parallel_loop3A_318 : vector<16xf32>
      %parallel_loop3A_320 = arith.index_cast %parallel_loop3A_291 : i32 to index
      %parallel_loop3A_321 = arith.constant 64 : index
      %parallel_loop3A_322 = tpu.vector_load %arg8[%parallel_loop3A_320, %parallel_loop3A_321] {strides = array<i32>} : memref<64x128xf32, #tpu.memory_space<vmem>>, vector<16xf32>,
      %parallel_loop3A_323 = arith.index_cast %parallel_loop3A_291 : i32 to index
      %parallel_loop3A_324 = arith.constant 64 : index
      %parallel_loop3A_325 = tpu.vector_load %arg12[%parallel_loop3A_323, %parallel_loop3A_324] {strides = array<i32>} : memref<64x128xf32, #tpu.memory_space<vmem>>, vector<16xf32>,
      %parallel_loop3A_326 = arith.mulf %parallel_loop3A_322, %parallel_loop3A_325 : vector<16xf32>
      %parallel_loop3A_327 = arith.index_cast %parallel_loop3A_291 : i32 to index
      %parallel_loop3A_328 = arith.constant 80 : index
      %parallel_loop3A_329 = tpu.vector_load %arg8[%parallel_loop3A_327, %parallel_loop3A_328] {strides = array<i32>} : memref<64x128xf32, #tpu.memory_space<vmem>>, vector<16xf32>,
      %parallel_loop3A_330 = arith.index_cast %parallel_loop3A_291 : i32 to index
      %parallel_loop3A_331 = arith.constant 80 : index
      %parallel_loop3A_332 = tpu.vector_load %arg12[%parallel_loop3A_330, %parallel_loop3A_331] {strides = array<i32>} : memref<64x128xf32, #tpu.memory_space<vmem>>, vector<16xf32>,
      %parallel_loop3A_333 = arith.mulf %parallel_loop3A_329, %parallel_loop3A_332 : vector<16xf32>
      %parallel_loop3A_334 = arith.index_cast %parallel_loop3A_291 : i32 to index
      %parallel_loop3A_335 = arith.constant 96 : index
      %parallel_loop3A_336 = tpu.vector_load %arg8[%parallel_loop3A_334, %parallel_loop3A_335] {strides = array<i32>} : memref<64x128xf32, #tpu.memory_space<vmem>>, vector<16xf32>,
      %parallel_loop3A_337 = arith.index_cast %parallel_loop3A_291 : i32 to index
      %parallel_loop3A_338 = arith.constant 96 : index
      %parallel_loop3A_339 = tpu.vector_load %arg12[%parallel_loop3A_337, %parallel_loop3A_338] {strides = array<i32>} : memref<64x128xf32, #tpu.memory_space<vmem>>, vector<16xf32>,
      %parallel_loop3A_340 = arith.mulf %parallel_loop3A_336, %parallel_loop3A_339 : vector<16xf32>
      %parallel_loop3A_341 = arith.index_cast %parallel_loop3A_291 : i32 to index
      %parallel_loop3A_342 = arith.constant 112 : index
      %parallel_loop3A_343 = tpu.vector_load %arg8[%parallel_loop3A_341, %parallel_loop3A_342] {strides = array<i32>} : memref<64x128xf32, #tpu.memory_space<vmem>>, vector<16xf32>,
      %parallel_loop3A_344 = arith.index_cast %parallel_loop3A_291 : i32 to index
      %parallel_loop3A_345 = arith.constant 112 : index
      %parallel_loop3A_346 = tpu.vector_load %arg12[%parallel_loop3A_344, %parallel_loop3A_345] {strides = array<i32>} : memref<64x128xf32, #tpu.memory_space<vmem>>, vector<16xf32>,
      %parallel_loop3A_347 = arith.mulf %parallel_loop3A_343, %parallel_loop3A_346 : vector<16xf32>
      %parallel_loop3A_348 = arith.addf %parallel_loop3A_298, %parallel_loop3A_305 : vector<16xf32>
      %parallel_loop3A_349 = arith.addf %parallel_loop3A_312, %parallel_loop3A_319 : vector<16xf32>
      %parallel_loop3A_350 = arith.addf %parallel_loop3A_326, %parallel_loop3A_333 : vector<16xf32>
      %parallel_loop3A_351 = arith.addf %parallel_loop3A_340, %parallel_loop3A_347 : vector<16xf32>
      %parallel_loop3A_352 = arith.addf %parallel_loop3A_348, %parallel_loop3A_349 : vector<16xf32>
      %parallel_loop3A_353 = arith.addf %parallel_loop3A_350, %parallel_loop3A_351 : vector<16xf32>
      %parallel_loop3A_354 = arith.addf %parallel_loop3A_352, %parallel_loop3A_353 : vector<16xf32>
      %parallel_loop3A_355 = arith.constant true
      %parallel_loop3A_356 = vector.broadcast %parallel_loop3A_355 : i1 to vector<16xi1>
      %parallel_loop3A_357 = tpu.scan <sum>, %parallel_loop3A_354 masked %parallel_loop3A_356 : vector<16xf32>, vector<16xi1> -> vector<16xf32>
      %parallel_loop3A_358 = math.exp %parallel_loop3A_357 : vector<16xf32>
      %parallel_loop3A_359 = arith.constant 1.000000e+00 : f32
      %parallel_loop3A_360 = vector.broadcast %parallel_loop3A_359 : f32 to vector<16xf32>
      %parallel_loop3A_361 = arith.addf %parallel_loop3A_360, %parallel_loop3A_358 : vector<16xf32>
      %parallel_loop3A_362 = arith.constant 1.000000e+00 : f32
      %parallel_loop3A_363 = vector.broadcast %parallel_loop3A_362 : f32 to vector<16xf32>
      %parallel_loop3A_364 = arith.divf %parallel_loop3A_363, %parallel_loop3A_361 : vector<16xf32>
      %parallel_loop3A_365 = arith.constant 256 : i32
      %parallel_loop3A_366 = arith.addi %parallel_loop3A_365, %parallel_loop3A_291 : i32
      %parallel_loop3A_367 = vector.broadcast %parallel_loop3A_366 : i32 to vector<16xi32>
      %parallel_loop3A_368 = arith.addi %broadcast_in_dim3A_5, %parallel_loop3A_367 : vector<16xi32>
      tpu.vector_store_idx %arg16[%parallel_loop3A_368], %parallel_loop3A_364 masked %eq3A_4 : memref<512xf32, #tpu.memory_space<vmem>>[vector<16xi32>], vector<16xf32>, vector<16xi1>
    } {sc.loop_unroll_factor = 1 : i64, sc.parallel_access}
    "tpu.trace_stop"() : () -> ()
    "tpu.trace_start"() <{level = 10 : i32, message = "dma_wait"}> : () -> ()
    %dma_wait3A_234 = arith.constant 0 : i32
    %dma_wait3A_235 = arith.constant 0 : i32
    %dma_wait3A_236 = tpu.memref_slice %arg9[%dma_wait3A_234, %dma_wait3A_235] : memref<64x128xf32, #tpu.memory_space<vmem>> -> memref<64x128xf32, #tpu.memory_space<vmem>>
    %dma_wait3A_237 = arith.constant 320 : i32
    %dma_wait3A_238 = tpu.memref_slice %arg6[%dma_wait3A_237] : memref<512xi32, #tpu.memory_space<vmem>> -> memref<64xi32, #tpu.memory_space<vmem>>
    %dma_wait3A_239 = arith.constant 0 : i32
    %dma_wait3A_240 = arith.constant 0 : i32
    %dma_wait3A_241 = tpu.memref_slice %arg4[%dma_wait3A_239, %dma_wait3A_240] : memref<100000x128xf32, #tpu.memory_space<hbm>> -> memref<100000x128xf32, #tpu.memory_space<hbm>>
    tpu.wait_indirect_dma semaphore(%arg18 : memref<!tpu.dma_semaphore, #tpu.memory_space<semaphore_mem>>) src(%dma_wait3A_241 : memref<100000x128xf32, #tpu.memory_space<hbm>>) dst(%dma_wait3A_236 : memref<64x128xf32, #tpu.memory_space<vmem>>)
    %dma_wait3A_242 = arith.constant 0 : i32
    %dma_wait3A_243 = arith.constant 0 : i32
    %dma_wait3A_244 = tpu.memref_slice %arg13[%dma_wait3A_242, %dma_wait3A_243] : memref<64x128xf32, #tpu.memory_space<vmem>> -> memref<64x128xf32, #tpu.memory_space<vmem>>
    %dma_wait3A_245 = arith.constant 320 : i32
    %dma_wait3A_246 = tpu.memref_slice %arg7[%dma_wait3A_245] : memref<512xi32, #tpu.memory_space<vmem>> -> memref<64xi32, #tpu.memory_space<vmem>>
    %dma_wait3A_247 = arith.constant 0 : i32
    %dma_wait3A_248 = arith.constant 0 : i32
    %dma_wait3A_249 = tpu.memref_slice %arg4[%dma_wait3A_247, %dma_wait3A_248] : memref<100000x128xf32, #tpu.memory_space<hbm>> -> memref<100000x128xf32, #tpu.memory_space<hbm>>
    tpu.wait_indirect_dma semaphore(%arg18 : memref<!tpu.dma_semaphore, #tpu.memory_space<semaphore_mem>>) src(%dma_wait3A_249 : memref<100000x128xf32, #tpu.memory_space<hbm>>) dst(%dma_wait3A_244 : memref<64x128xf32, #tpu.memory_space<vmem>>)
    %parallel_loop3A_250 = arith.constant 0 : i32
    %parallel_loop3A_251 = arith.constant 64 : i32
    %parallel_loop3A_252 = arith.constant 1 : i32
    "tpu.trace_stop"() : () -> ()
    "tpu.trace_start"() <{level = 10 : i32, message = "compute"}> : () -> ()
    scf.for %parallel_loop3A_291 = %parallel_loop3A_250 to %parallel_loop3A_251 step %parallel_loop3A_252  : i32 {
      %parallel_loop3A_292 = arith.index_cast %parallel_loop3A_291 : i32 to index
      %parallel_loop3A_293 = arith.constant 0 : index
      %parallel_loop3A_294 = tpu.vector_load %arg9[%parallel_loop3A_292, %parallel_loop3A_293] {strides = array<i32>} : memref<64x128xf32, #tpu.memory_space<vmem>>, vector<16xf32>,
      %parallel_loop3A_295 = arith.index_cast %parallel_loop3A_291 : i32 to index
      %parallel_loop3A_296 = arith.constant 0 : index
      %parallel_loop3A_297 = tpu.vector_load %arg13[%parallel_loop3A_295, %parallel_loop3A_296] {strides = array<i32>} : memref<64x128xf32, #tpu.memory_space<vmem>>, vector<16xf32>,
      %parallel_loop3A_298 = arith.mulf %parallel_loop3A_294, %parallel_loop3A_297 : vector<16xf32>
      %parallel_loop3A_299 = arith.index_cast %parallel_loop3A_291 : i32 to index
      %parallel_loop3A_300 = arith.constant 16 : index
      %parallel_loop3A_301 = tpu.vector_load %arg9[%parallel_loop3A_299, %parallel_loop3A_300] {strides = array<i32>} : memref<64x128xf32, #tpu.memory_space<vmem>>, vector<16xf32>,
      %parallel_loop3A_302 = arith.index_cast %parallel_loop3A_291 : i32 to index
      %parallel_loop3A_303 = arith.constant 16 : index
      %parallel_loop3A_304 = tpu.vector_load %arg13[%parallel_loop3A_302, %parallel_loop3A_303] {strides = array<i32>} : memref<64x128xf32, #tpu.memory_space<vmem>>, vector<16xf32>,
      %parallel_loop3A_305 = arith.mulf %parallel_loop3A_301, %parallel_loop3A_304 : vector<16xf32>
      %parallel_loop3A_306 = arith.index_cast %parallel_loop3A_291 : i32 to index
      %parallel_loop3A_307 = arith.constant 32 : index
      %parallel_loop3A_308 = tpu.vector_load %arg9[%parallel_loop3A_306, %parallel_loop3A_307] {strides = array<i32>} : memref<64x128xf32, #tpu.memory_space<vmem>>, vector<16xf32>,
      %parallel_loop3A_309 = arith.index_cast %parallel_loop3A_291 : i32 to index
      %parallel_loop3A_310 = arith.constant 32 : index
      %parallel_loop3A_311 = tpu.vector_load %arg13[%parallel_loop3A_309, %parallel_loop3A_310] {strides = array<i32>} : memref<64x128xf32, #tpu.memory_space<vmem>>, vector<16xf32>,
      %parallel_loop3A_312 = arith.mulf %parallel_loop3A_308, %parallel_loop3A_311 : vector<16xf32>
      %parallel_loop3A_313 = arith.index_cast %parallel_loop3A_291 : i32 to index
      %parallel_loop3A_314 = arith.constant 48 : index
      %parallel_loop3A_315 = tpu.vector_load %arg9[%parallel_loop3A_313, %parallel_loop3A_314] {strides = array<i32>} : memref<64x128xf32, #tpu.memory_space<vmem>>, vector<16xf32>,
      %parallel_loop3A_316 = arith.index_cast %parallel_loop3A_291 : i32 to index
      %parallel_loop3A_317 = arith.constant 48 : index
      %parallel_loop3A_318 = tpu.vector_load %arg13[%parallel_loop3A_316, %parallel_loop3A_317] {strides = array<i32>} : memref<64x128xf32, #tpu.memory_space<vmem>>, vector<16xf32>,
      %parallel_loop3A_319 = arith.mulf %parallel_loop3A_315, %parallel_loop3A_318 : vector<16xf32>
      %parallel_loop3A_320 = arith.index_cast %parallel_loop3A_291 : i32 to index
      %parallel_loop3A_321 = arith.constant 64 : index
      %parallel_loop3A_322 = tpu.vector_load %arg9[%parallel_loop3A_320, %parallel_loop3A_321] {strides = array<i32>} : memref<64x128xf32, #tpu.memory_space<vmem>>, vector<16xf32>,
      %parallel_loop3A_323 = arith.index_cast %parallel_loop3A_291 : i32 to index
      %parallel_loop3A_324 = arith.constant 64 : index
      %parallel_loop3A_325 = tpu.vector_load %arg13[%parallel_loop3A_323, %parallel_loop3A_324] {strides = array<i32>} : memref<64x128xf32, #tpu.memory_space<vmem>>, vector<16xf32>,
      %parallel_loop3A_326 = arith.mulf %parallel_loop3A_322, %parallel_loop3A_325 : vector<16xf32>
      %parallel_loop3A_327 = arith.index_cast %parallel_loop3A_291 : i32 to index
      %parallel_loop3A_328 = arith.constant 80 : index
      %parallel_loop3A_329 = tpu.vector_load %arg9[%parallel_loop3A_327, %parallel_loop3A_328] {strides = array<i32>} : memref<64x128xf32, #tpu.memory_space<vmem>>, vector<16xf32>,
      %parallel_loop3A_330 = arith.index_cast %parallel_loop3A_291 : i32 to index
      %parallel_loop3A_331 = arith.constant 80 : index
      %parallel_loop3A_332 = tpu.vector_load %arg13[%parallel_loop3A_330, %parallel_loop3A_331] {strides = array<i32>} : memref<64x128xf32, #tpu.memory_space<vmem>>, vector<16xf32>,
      %parallel_loop3A_333 = arith.mulf %parallel_loop3A_329, %parallel_loop3A_332 : vector<16xf32>
      %parallel_loop3A_334 = arith.index_cast %parallel_loop3A_291 : i32 to index
      %parallel_loop3A_335 = arith.constant 96 : index
      %parallel_loop3A_336 = tpu.vector_load %arg9[%parallel_loop3A_334, %parallel_loop3A_335] {strides = array<i32>} : memref<64x128xf32, #tpu.memory_space<vmem>>, vector<16xf32>,
      %parallel_loop3A_337 = arith.index_cast %parallel_loop3A_291 : i32 to index
      %parallel_loop3A_338 = arith.constant 96 : index
      %parallel_loop3A_339 = tpu.vector_load %arg13[%parallel_loop3A_337, %parallel_loop3A_338] {strides = array<i32>} : memref<64x128xf32, #tpu.memory_space<vmem>>, vector<16xf32>,
      %parallel_loop3A_340 = arith.mulf %parallel_loop3A_336, %parallel_loop3A_339 : vector<16xf32>
      %parallel_loop3A_341 = arith.index_cast %parallel_loop3A_291 : i32 to index
      %parallel_loop3A_342 = arith.constant 112 : index
      %parallel_loop3A_343 = tpu.vector_load %arg9[%parallel_loop3A_341, %parallel_loop3A_342] {strides = array<i32>} : memref<64x128xf32, #tpu.memory_space<vmem>>, vector<16xf32>,
      %parallel_loop3A_344 = arith.index_cast %parallel_loop3A_291 : i32 to index
      %parallel_loop3A_345 = arith.constant 112 : index
      %parallel_loop3A_346 = tpu.vector_load %arg13[%parallel_loop3A_344, %parallel_loop3A_345] {strides = array<i32>} : memref<64x128xf32, #tpu.memory_space<vmem>>, vector<16xf32>,
      %parallel_loop3A_347 = arith.mulf %parallel_loop3A_343, %parallel_loop3A_346 : vector<16xf32>
      %parallel_loop3A_348 = arith.addf %parallel_loop3A_298, %parallel_loop3A_305 : vector<16xf32>
      %parallel_loop3A_349 = arith.addf %parallel_loop3A_312, %parallel_loop3A_319 : vector<16xf32>
      %parallel_loop3A_350 = arith.addf %parallel_loop3A_326, %parallel_loop3A_333 : vector<16xf32>
      %parallel_loop3A_351 = arith.addf %parallel_loop3A_340, %parallel_loop3A_347 : vector<16xf32>
      %parallel_loop3A_352 = arith.addf %parallel_loop3A_348, %parallel_loop3A_349 : vector<16xf32>
      %parallel_loop3A_353 = arith.addf %parallel_loop3A_350, %parallel_loop3A_351 : vector<16xf32>
      %parallel_loop3A_354 = arith.addf %parallel_loop3A_352, %parallel_loop3A_353 : vector<16xf32>
      %parallel_loop3A_355 = arith.constant true
      %parallel_loop3A_356 = vector.broadcast %parallel_loop3A_355 : i1 to vector<16xi1>
      %parallel_loop3A_357 = tpu.scan <sum>, %parallel_loop3A_354 masked %parallel_loop3A_356 : vector<16xf32>, vector<16xi1> -> vector<16xf32>
      %parallel_loop3A_358 = math.exp %parallel_loop3A_357 : vector<16xf32>
      %parallel_loop3A_359 = arith.constant 1.000000e+00 : f32
      %parallel_loop3A_360 = vector.broadcast %parallel_loop3A_359 : f32 to vector<16xf32>
      %parallel_loop3A_361 = arith.addf %parallel_loop3A_360, %parallel_loop3A_358 : vector<16xf32>
      %parallel_loop3A_362 = arith.constant 1.000000e+00 : f32
      %parallel_loop3A_363 = vector.broadcast %parallel_loop3A_362 : f32 to vector<16xf32>
      %parallel_loop3A_364 = arith.divf %parallel_loop3A_363, %parallel_loop3A_361 : vector<16xf32>
      %parallel_loop3A_365 = arith.constant 320 : i32
      %parallel_loop3A_366 = arith.addi %parallel_loop3A_365, %parallel_loop3A_291 : i32
      %parallel_loop3A_367 = vector.broadcast %parallel_loop3A_366 : i32 to vector<16xi32>
      %parallel_loop3A_368 = arith.addi %broadcast_in_dim3A_5, %parallel_loop3A_367 : vector<16xi32>
      tpu.vector_store_idx %arg16[%parallel_loop3A_368], %parallel_loop3A_364 masked %eq3A_4 : memref<512xf32, #tpu.memory_space<vmem>>[vector<16xi32>], vector<16xf32>, vector<16xi1>
    } {sc.loop_unroll_factor = 1 : i64, sc.parallel_access}
    "tpu.trace_stop"() : () -> ()
    "tpu.trace_start"() <{level = 10 : i32, message = "dma_wait"}> : () -> ()
    %dma_wait3A_253 = arith.constant 0 : i32
    %dma_wait3A_254 = arith.constant 0 : i32
    %dma_wait3A_255 = tpu.memref_slice %arg10[%dma_wait3A_253, %dma_wait3A_254] : memref<64x128xf32, #tpu.memory_space<vmem>> -> memref<64x128xf32, #tpu.memory_space<vmem>>
    %dma_wait3A_256 = arith.constant 384 : i32
    %dma_wait3A_257 = tpu.memref_slice %arg6[%dma_wait3A_256] : memref<512xi32, #tpu.memory_space<vmem>> -> memref<64xi32, #tpu.memory_space<vmem>>
    %dma_wait3A_258 = arith.constant 0 : i32
    %dma_wait3A_259 = arith.constant 0 : i32
    %dma_wait3A_260 = tpu.memref_slice %arg4[%dma_wait3A_258, %dma_wait3A_259] : memref<100000x128xf32, #tpu.memory_space<hbm>> -> memref<100000x128xf32, #tpu.memory_space<hbm>>
    tpu.wait_indirect_dma semaphore(%arg19 : memref<!tpu.dma_semaphore, #tpu.memory_space<semaphore_mem>>) src(%dma_wait3A_260 : memref<100000x128xf32, #tpu.memory_space<hbm>>) dst(%dma_wait3A_255 : memref<64x128xf32, #tpu.memory_space<vmem>>)
    %dma_wait3A_261 = arith.constant 0 : i32
    %dma_wait3A_262 = arith.constant 0 : i32
    %dma_wait3A_263 = tpu.memref_slice %arg14[%dma_wait3A_261, %dma_wait3A_262] : memref<64x128xf32, #tpu.memory_space<vmem>> -> memref<64x128xf32, #tpu.memory_space<vmem>>
    %dma_wait3A_264 = arith.constant 384 : i32
    %dma_wait3A_265 = tpu.memref_slice %arg7[%dma_wait3A_264] : memref<512xi32, #tpu.memory_space<vmem>> -> memref<64xi32, #tpu.memory_space<vmem>>
    %dma_wait3A_266 = arith.constant 0 : i32
    %dma_wait3A_267 = arith.constant 0 : i32
    %dma_wait3A_268 = tpu.memref_slice %arg4[%dma_wait3A_266, %dma_wait3A_267] : memref<100000x128xf32, #tpu.memory_space<hbm>> -> memref<100000x128xf32, #tpu.memory_space<hbm>>
    tpu.wait_indirect_dma semaphore(%arg19 : memref<!tpu.dma_semaphore, #tpu.memory_space<semaphore_mem>>) src(%dma_wait3A_268 : memref<100000x128xf32, #tpu.memory_space<hbm>>) dst(%dma_wait3A_263 : memref<64x128xf32, #tpu.memory_space<vmem>>)
    %parallel_loop3A_269 = arith.constant 0 : i32
    %parallel_loop3A_270 = arith.constant 64 : i32
    %parallel_loop3A_271 = arith.constant 1 : i32
    "tpu.trace_stop"() : () -> ()
    "tpu.trace_start"() <{level = 10 : i32, message = "compute"}> : () -> ()
    scf.for %parallel_loop3A_291 = %parallel_loop3A_269 to %parallel_loop3A_270 step %parallel_loop3A_271  : i32 {
      %parallel_loop3A_292 = arith.index_cast %parallel_loop3A_291 : i32 to index
      %parallel_loop3A_293 = arith.constant 0 : index
      %parallel_loop3A_294 = tpu.vector_load %arg10[%parallel_loop3A_292, %parallel_loop3A_293] {strides = array<i32>} : memref<64x128xf32, #tpu.memory_space<vmem>>, vector<16xf32>,
      %parallel_loop3A_295 = arith.index_cast %parallel_loop3A_291 : i32 to index
      %parallel_loop3A_296 = arith.constant 0 : index
      %parallel_loop3A_297 = tpu.vector_load %arg14[%parallel_loop3A_295, %parallel_loop3A_296] {strides = array<i32>} : memref<64x128xf32, #tpu.memory_space<vmem>>, vector<16xf32>,
      %parallel_loop3A_298 = arith.mulf %parallel_loop3A_294, %parallel_loop3A_297 : vector<16xf32>
      %parallel_loop3A_299 = arith.index_cast %parallel_loop3A_291 : i32 to index
      %parallel_loop3A_300 = arith.constant 16 : index
      %parallel_loop3A_301 = tpu.vector_load %arg10[%parallel_loop3A_299, %parallel_loop3A_300] {strides = array<i32>} : memref<64x128xf32, #tpu.memory_space<vmem>>, vector<16xf32>,
      %parallel_loop3A_302 = arith.index_cast %parallel_loop3A_291 : i32 to index
      %parallel_loop3A_303 = arith.constant 16 : index
      %parallel_loop3A_304 = tpu.vector_load %arg14[%parallel_loop3A_302, %parallel_loop3A_303] {strides = array<i32>} : memref<64x128xf32, #tpu.memory_space<vmem>>, vector<16xf32>,
      %parallel_loop3A_305 = arith.mulf %parallel_loop3A_301, %parallel_loop3A_304 : vector<16xf32>
      %parallel_loop3A_306 = arith.index_cast %parallel_loop3A_291 : i32 to index
      %parallel_loop3A_307 = arith.constant 32 : index
      %parallel_loop3A_308 = tpu.vector_load %arg10[%parallel_loop3A_306, %parallel_loop3A_307] {strides = array<i32>} : memref<64x128xf32, #tpu.memory_space<vmem>>, vector<16xf32>,
      %parallel_loop3A_309 = arith.index_cast %parallel_loop3A_291 : i32 to index
      %parallel_loop3A_310 = arith.constant 32 : index
      %parallel_loop3A_311 = tpu.vector_load %arg14[%parallel_loop3A_309, %parallel_loop3A_310] {strides = array<i32>} : memref<64x128xf32, #tpu.memory_space<vmem>>, vector<16xf32>,
      %parallel_loop3A_312 = arith.mulf %parallel_loop3A_308, %parallel_loop3A_311 : vector<16xf32>
      %parallel_loop3A_313 = arith.index_cast %parallel_loop3A_291 : i32 to index
      %parallel_loop3A_314 = arith.constant 48 : index
      %parallel_loop3A_315 = tpu.vector_load %arg10[%parallel_loop3A_313, %parallel_loop3A_314] {strides = array<i32>} : memref<64x128xf32, #tpu.memory_space<vmem>>, vector<16xf32>,
      %parallel_loop3A_316 = arith.index_cast %parallel_loop3A_291 : i32 to index
      %parallel_loop3A_317 = arith.constant 48 : index
      %parallel_loop3A_318 = tpu.vector_load %arg14[%parallel_loop3A_316, %parallel_loop3A_317] {strides = array<i32>} : memref<64x128xf32, #tpu.memory_space<vmem>>, vector<16xf32>,
      %parallel_loop3A_319 = arith.mulf %parallel_loop3A_315, %parallel_loop3A_318 : vector<16xf32>
      %parallel_loop3A_320 = arith.index_cast %parallel_loop3A_291 : i32 to index
      %parallel_loop3A_321 = arith.constant 64 : index
      %parallel_loop3A_322 = tpu.vector_load %arg10[%parallel_loop3A_320, %parallel_loop3A_321] {strides = array<i32>} : memref<64x128xf32, #tpu.memory_space<vmem>>, vector<16xf32>,
      %parallel_loop3A_323 = arith.index_cast %parallel_loop3A_291 : i32 to index
      %parallel_loop3A_324 = arith.constant 64 : index
      %parallel_loop3A_325 = tpu.vector_load %arg14[%parallel_loop3A_323, %parallel_loop3A_324] {strides = array<i32>} : memref<64x128xf32, #tpu.memory_space<vmem>>, vector<16xf32>,
      %parallel_loop3A_326 = arith.mulf %parallel_loop3A_322, %parallel_loop3A_325 : vector<16xf32>
      %parallel_loop3A_327 = arith.index_cast %parallel_loop3A_291 : i32 to index
      %parallel_loop3A_328 = arith.constant 80 : index
      %parallel_loop3A_329 = tpu.vector_load %arg10[%parallel_loop3A_327, %parallel_loop3A_328] {strides = array<i32>} : memref<64x128xf32, #tpu.memory_space<vmem>>, vector<16xf32>,
      %parallel_loop3A_330 = arith.index_cast %parallel_loop3A_291 : i32 to index
      %parallel_loop3A_331 = arith.constant 80 : index
      %parallel_loop3A_332 = tpu.vector_load %arg14[%parallel_loop3A_330, %parallel_loop3A_331] {strides = array<i32>} : memref<64x128xf32, #tpu.memory_space<vmem>>, vector<16xf32>,
      %parallel_loop3A_333 = arith.mulf %parallel_loop3A_329, %parallel_loop3A_332 : vector<16xf32>
      %parallel_loop3A_334 = arith.index_cast %parallel_loop3A_291 : i32 to index
      %parallel_loop3A_335 = arith.constant 96 : index
      %parallel_loop3A_336 = tpu.vector_load %arg10[%parallel_loop3A_334, %parallel_loop3A_335] {strides = array<i32>} : memref<64x128xf32, #tpu.memory_space<vmem>>, vector<16xf32>,
      %parallel_loop3A_337 = arith.index_cast %parallel_loop3A_291 : i32 to index
      %parallel_loop3A_338 = arith.constant 96 : index
      %parallel_loop3A_339 = tpu.vector_load %arg14[%parallel_loop3A_337, %parallel_loop3A_338] {strides = array<i32>} : memref<64x128xf32, #tpu.memory_space<vmem>>, vector<16xf32>,
      %parallel_loop3A_340 = arith.mulf %parallel_loop3A_336, %parallel_loop3A_339 : vector<16xf32>
      %parallel_loop3A_341 = arith.index_cast %parallel_loop3A_291 : i32 to index
      %parallel_loop3A_342 = arith.constant 112 : index
      %parallel_loop3A_343 = tpu.vector_load %arg10[%parallel_loop3A_341, %parallel_loop3A_342] {strides = array<i32>} : memref<64x128xf32, #tpu.memory_space<vmem>>, vector<16xf32>,
      %parallel_loop3A_344 = arith.index_cast %parallel_loop3A_291 : i32 to index
      %parallel_loop3A_345 = arith.constant 112 : index
      %parallel_loop3A_346 = tpu.vector_load %arg14[%parallel_loop3A_344, %parallel_loop3A_345] {strides = array<i32>} : memref<64x128xf32, #tpu.memory_space<vmem>>, vector<16xf32>,
      %parallel_loop3A_347 = arith.mulf %parallel_loop3A_343, %parallel_loop3A_346 : vector<16xf32>
      %parallel_loop3A_348 = arith.addf %parallel_loop3A_298, %parallel_loop3A_305 : vector<16xf32>
      %parallel_loop3A_349 = arith.addf %parallel_loop3A_312, %parallel_loop3A_319 : vector<16xf32>
      %parallel_loop3A_350 = arith.addf %parallel_loop3A_326, %parallel_loop3A_333 : vector<16xf32>
      %parallel_loop3A_351 = arith.addf %parallel_loop3A_340, %parallel_loop3A_347 : vector<16xf32>
      %parallel_loop3A_352 = arith.addf %parallel_loop3A_348, %parallel_loop3A_349 : vector<16xf32>
      %parallel_loop3A_353 = arith.addf %parallel_loop3A_350, %parallel_loop3A_351 : vector<16xf32>
      %parallel_loop3A_354 = arith.addf %parallel_loop3A_352, %parallel_loop3A_353 : vector<16xf32>
      %parallel_loop3A_355 = arith.constant true
      %parallel_loop3A_356 = vector.broadcast %parallel_loop3A_355 : i1 to vector<16xi1>
      %parallel_loop3A_357 = tpu.scan <sum>, %parallel_loop3A_354 masked %parallel_loop3A_356 : vector<16xf32>, vector<16xi1> -> vector<16xf32>
      %parallel_loop3A_358 = math.exp %parallel_loop3A_357 : vector<16xf32>
      %parallel_loop3A_359 = arith.constant 1.000000e+00 : f32
      %parallel_loop3A_360 = vector.broadcast %parallel_loop3A_359 : f32 to vector<16xf32>
      %parallel_loop3A_361 = arith.addf %parallel_loop3A_360, %parallel_loop3A_358 : vector<16xf32>
      %parallel_loop3A_362 = arith.constant 1.000000e+00 : f32
      %parallel_loop3A_363 = vector.broadcast %parallel_loop3A_362 : f32 to vector<16xf32>
      %parallel_loop3A_364 = arith.divf %parallel_loop3A_363, %parallel_loop3A_361 : vector<16xf32>
      %parallel_loop3A_365 = arith.constant 384 : i32
      %parallel_loop3A_366 = arith.addi %parallel_loop3A_365, %parallel_loop3A_291 : i32
      %parallel_loop3A_367 = vector.broadcast %parallel_loop3A_366 : i32 to vector<16xi32>
      %parallel_loop3A_368 = arith.addi %broadcast_in_dim3A_5, %parallel_loop3A_367 : vector<16xi32>
      tpu.vector_store_idx %arg16[%parallel_loop3A_368], %parallel_loop3A_364 masked %eq3A_4 : memref<512xf32, #tpu.memory_space<vmem>>[vector<16xi32>], vector<16xf32>, vector<16xi1>
    } {sc.loop_unroll_factor = 1 : i64, sc.parallel_access}
    "tpu.trace_stop"() : () -> ()
    "tpu.trace_start"() <{level = 10 : i32, message = "dma_wait"}> : () -> ()
    %dma_wait3A_272 = arith.constant 0 : i32
    %dma_wait3A_273 = arith.constant 0 : i32
    %dma_wait3A_274 = tpu.memref_slice %arg11[%dma_wait3A_272, %dma_wait3A_273] : memref<64x128xf32, #tpu.memory_space<vmem>> -> memref<64x128xf32, #tpu.memory_space<vmem>>
    %dma_wait3A_275 = arith.constant 448 : i32
    %dma_wait3A_276 = tpu.memref_slice %arg6[%dma_wait3A_275] : memref<512xi32, #tpu.memory_space<vmem>> -> memref<64xi32, #tpu.memory_space<vmem>>
    %dma_wait3A_277 = arith.constant 0 : i32
    %dma_wait3A_278 = arith.constant 0 : i32
    %dma_wait3A_279 = tpu.memref_slice %arg4[%dma_wait3A_277, %dma_wait3A_278] : memref<100000x128xf32, #tpu.memory_space<hbm>> -> memref<100000x128xf32, #tpu.memory_space<hbm>>
    tpu.wait_indirect_dma semaphore(%arg20 : memref<!tpu.dma_semaphore, #tpu.memory_space<semaphore_mem>>) src(%dma_wait3A_279 : memref<100000x128xf32, #tpu.memory_space<hbm>>) dst(%dma_wait3A_274 : memref<64x128xf32, #tpu.memory_space<vmem>>)
    %dma_wait3A_280 = arith.constant 0 : i32
    %dma_wait3A_281 = arith.constant 0 : i32
    %dma_wait3A_282 = tpu.memref_slice %arg15[%dma_wait3A_280, %dma_wait3A_281] : memref<64x128xf32, #tpu.memory_space<vmem>> -> memref<64x128xf32, #tpu.memory_space<vmem>>
    %dma_wait3A_283 = arith.constant 448 : i32
    %dma_wait3A_284 = tpu.memref_slice %arg7[%dma_wait3A_283] : memref<512xi32, #tpu.memory_space<vmem>> -> memref<64xi32, #tpu.memory_space<vmem>>
    %dma_wait3A_285 = arith.constant 0 : i32
    %dma_wait3A_286 = arith.constant 0 : i32
    %dma_wait3A_287 = tpu.memref_slice %arg4[%dma_wait3A_285, %dma_wait3A_286] : memref<100000x128xf32, #tpu.memory_space<hbm>> -> memref<100000x128xf32, #tpu.memory_space<hbm>>
    tpu.wait_indirect_dma semaphore(%arg20 : memref<!tpu.dma_semaphore, #tpu.memory_space<semaphore_mem>>) src(%dma_wait3A_287 : memref<100000x128xf32, #tpu.memory_space<hbm>>) dst(%dma_wait3A_282 : memref<64x128xf32, #tpu.memory_space<vmem>>)
    %parallel_loop3A_288 = arith.constant 0 : i32
    %parallel_loop3A_289 = arith.constant 64 : i32
    %parallel_loop3A_290 = arith.constant 1 : i32
    "tpu.trace_stop"() : () -> ()
    "tpu.trace_start"() <{level = 10 : i32, message = "compute"}> : () -> ()
    scf.for %parallel_loop3A_291 = %parallel_loop3A_288 to %parallel_loop3A_289 step %parallel_loop3A_290  : i32 {
      %parallel_loop3A_292 = arith.index_cast %parallel_loop3A_291 : i32 to index
      %parallel_loop3A_293 = arith.constant 0 : index
      %parallel_loop3A_294 = tpu.vector_load %arg11[%parallel_loop3A_292, %parallel_loop3A_293] {strides = array<i32>} : memref<64x128xf32, #tpu.memory_space<vmem>>, vector<16xf32>,
      %parallel_loop3A_295 = arith.index_cast %parallel_loop3A_291 : i32 to index
      %parallel_loop3A_296 = arith.constant 0 : index
      %parallel_loop3A_297 = tpu.vector_load %arg15[%parallel_loop3A_295, %parallel_loop3A_296] {strides = array<i32>} : memref<64x128xf32, #tpu.memory_space<vmem>>, vector<16xf32>,
      %parallel_loop3A_298 = arith.mulf %parallel_loop3A_294, %parallel_loop3A_297 : vector<16xf32>
      %parallel_loop3A_299 = arith.index_cast %parallel_loop3A_291 : i32 to index
      %parallel_loop3A_300 = arith.constant 16 : index
      %parallel_loop3A_301 = tpu.vector_load %arg11[%parallel_loop3A_299, %parallel_loop3A_300] {strides = array<i32>} : memref<64x128xf32, #tpu.memory_space<vmem>>, vector<16xf32>,
      %parallel_loop3A_302 = arith.index_cast %parallel_loop3A_291 : i32 to index
      %parallel_loop3A_303 = arith.constant 16 : index
      %parallel_loop3A_304 = tpu.vector_load %arg15[%parallel_loop3A_302, %parallel_loop3A_303] {strides = array<i32>} : memref<64x128xf32, #tpu.memory_space<vmem>>, vector<16xf32>,
      %parallel_loop3A_305 = arith.mulf %parallel_loop3A_301, %parallel_loop3A_304 : vector<16xf32>
      %parallel_loop3A_306 = arith.index_cast %parallel_loop3A_291 : i32 to index
      %parallel_loop3A_307 = arith.constant 32 : index
      %parallel_loop3A_308 = tpu.vector_load %arg11[%parallel_loop3A_306, %parallel_loop3A_307] {strides = array<i32>} : memref<64x128xf32, #tpu.memory_space<vmem>>, vector<16xf32>,
      %parallel_loop3A_309 = arith.index_cast %parallel_loop3A_291 : i32 to index
      %parallel_loop3A_310 = arith.constant 32 : index
      %parallel_loop3A_311 = tpu.vector_load %arg15[%parallel_loop3A_309, %parallel_loop3A_310] {strides = array<i32>} : memref<64x128xf32, #tpu.memory_space<vmem>>, vector<16xf32>,
      %parallel_loop3A_312 = arith.mulf %parallel_loop3A_308, %parallel_loop3A_311 : vector<16xf32>
      %parallel_loop3A_313 = arith.index_cast %parallel_loop3A_291 : i32 to index
      %parallel_loop3A_314 = arith.constant 48 : index
      %parallel_loop3A_315 = tpu.vector_load %arg11[%parallel_loop3A_313, %parallel_loop3A_314] {strides = array<i32>} : memref<64x128xf32, #tpu.memory_space<vmem>>, vector<16xf32>,
      %parallel_loop3A_316 = arith.index_cast %parallel_loop3A_291 : i32 to index
      %parallel_loop3A_317 = arith.constant 48 : index
      %parallel_loop3A_318 = tpu.vector_load %arg15[%parallel_loop3A_316, %parallel_loop3A_317] {strides = array<i32>} : memref<64x128xf32, #tpu.memory_space<vmem>>, vector<16xf32>,
      %parallel_loop3A_319 = arith.mulf %parallel_loop3A_315, %parallel_loop3A_318 : vector<16xf32>
      %parallel_loop3A_320 = arith.index_cast %parallel_loop3A_291 : i32 to index
      %parallel_loop3A_321 = arith.constant 64 : index
      %parallel_loop3A_322 = tpu.vector_load %arg11[%parallel_loop3A_320, %parallel_loop3A_321] {strides = array<i32>} : memref<64x128xf32, #tpu.memory_space<vmem>>, vector<16xf32>,
      %parallel_loop3A_323 = arith.index_cast %parallel_loop3A_291 : i32 to index
      %parallel_loop3A_324 = arith.constant 64 : index
      %parallel_loop3A_325 = tpu.vector_load %arg15[%parallel_loop3A_323, %parallel_loop3A_324] {strides = array<i32>} : memref<64x128xf32, #tpu.memory_space<vmem>>, vector<16xf32>,
      %parallel_loop3A_326 = arith.mulf %parallel_loop3A_322, %parallel_loop3A_325 : vector<16xf32>
      %parallel_loop3A_327 = arith.index_cast %parallel_loop3A_291 : i32 to index
      %parallel_loop3A_328 = arith.constant 80 : index
      %parallel_loop3A_329 = tpu.vector_load %arg11[%parallel_loop3A_327, %parallel_loop3A_328] {strides = array<i32>} : memref<64x128xf32, #tpu.memory_space<vmem>>, vector<16xf32>,
      %parallel_loop3A_330 = arith.index_cast %parallel_loop3A_291 : i32 to index
      %parallel_loop3A_331 = arith.constant 80 : index
      %parallel_loop3A_332 = tpu.vector_load %arg15[%parallel_loop3A_330, %parallel_loop3A_331] {strides = array<i32>} : memref<64x128xf32, #tpu.memory_space<vmem>>, vector<16xf32>,
      %parallel_loop3A_333 = arith.mulf %parallel_loop3A_329, %parallel_loop3A_332 : vector<16xf32>
      %parallel_loop3A_334 = arith.index_cast %parallel_loop3A_291 : i32 to index
      %parallel_loop3A_335 = arith.constant 96 : index
      %parallel_loop3A_336 = tpu.vector_load %arg11[%parallel_loop3A_334, %parallel_loop3A_335] {strides = array<i32>} : memref<64x128xf32, #tpu.memory_space<vmem>>, vector<16xf32>,
      %parallel_loop3A_337 = arith.index_cast %parallel_loop3A_291 : i32 to index
      %parallel_loop3A_338 = arith.constant 96 : index
      %parallel_loop3A_339 = tpu.vector_load %arg15[%parallel_loop3A_337, %parallel_loop3A_338] {strides = array<i32>} : memref<64x128xf32, #tpu.memory_space<vmem>>, vector<16xf32>,
      %parallel_loop3A_340 = arith.mulf %parallel_loop3A_336, %parallel_loop3A_339 : vector<16xf32>
      %parallel_loop3A_341 = arith.index_cast %parallel_loop3A_291 : i32 to index
      %parallel_loop3A_342 = arith.constant 112 : index
      %parallel_loop3A_343 = tpu.vector_load %arg11[%parallel_loop3A_341, %parallel_loop3A_342] {strides = array<i32>} : memref<64x128xf32, #tpu.memory_space<vmem>>, vector<16xf32>,
      %parallel_loop3A_344 = arith.index_cast %parallel_loop3A_291 : i32 to index
      %parallel_loop3A_345 = arith.constant 112 : index
      %parallel_loop3A_346 = tpu.vector_load %arg15[%parallel_loop3A_344, %parallel_loop3A_345] {strides = array<i32>} : memref<64x128xf32, #tpu.memory_space<vmem>>, vector<16xf32>,
      %parallel_loop3A_347 = arith.mulf %parallel_loop3A_343, %parallel_loop3A_346 : vector<16xf32>
      %parallel_loop3A_348 = arith.addf %parallel_loop3A_298, %parallel_loop3A_305 : vector<16xf32>
      %parallel_loop3A_349 = arith.addf %parallel_loop3A_312, %parallel_loop3A_319 : vector<16xf32>
      %parallel_loop3A_350 = arith.addf %parallel_loop3A_326, %parallel_loop3A_333 : vector<16xf32>
      %parallel_loop3A_351 = arith.addf %parallel_loop3A_340, %parallel_loop3A_347 : vector<16xf32>
      %parallel_loop3A_352 = arith.addf %parallel_loop3A_348, %parallel_loop3A_349 : vector<16xf32>
      %parallel_loop3A_353 = arith.addf %parallel_loop3A_350, %parallel_loop3A_351 : vector<16xf32>
      %parallel_loop3A_354 = arith.addf %parallel_loop3A_352, %parallel_loop3A_353 : vector<16xf32>
      %parallel_loop3A_355 = arith.constant true
      %parallel_loop3A_356 = vector.broadcast %parallel_loop3A_355 : i1 to vector<16xi1>
      %parallel_loop3A_357 = tpu.scan <sum>, %parallel_loop3A_354 masked %parallel_loop3A_356 : vector<16xf32>, vector<16xi1> -> vector<16xf32>
      %parallel_loop3A_358 = math.exp %parallel_loop3A_357 : vector<16xf32>
      %parallel_loop3A_359 = arith.constant 1.000000e+00 : f32
      %parallel_loop3A_360 = vector.broadcast %parallel_loop3A_359 : f32 to vector<16xf32>
      %parallel_loop3A_361 = arith.addf %parallel_loop3A_360, %parallel_loop3A_358 : vector<16xf32>
      %parallel_loop3A_362 = arith.constant 1.000000e+00 : f32
      %parallel_loop3A_363 = vector.broadcast %parallel_loop3A_362 : f32 to vector<16xf32>
      %parallel_loop3A_364 = arith.divf %parallel_loop3A_363, %parallel_loop3A_361 : vector<16xf32>
      %parallel_loop3A_365 = arith.constant 448 : i32
      %parallel_loop3A_366 = arith.addi %parallel_loop3A_365, %parallel_loop3A_291 : i32
      %parallel_loop3A_367 = vector.broadcast %parallel_loop3A_366 : i32 to vector<16xi32>
      %parallel_loop3A_368 = arith.addi %broadcast_in_dim3A_5, %parallel_loop3A_367 : vector<16xi32>
      tpu.vector_store_idx %arg16[%parallel_loop3A_368], %parallel_loop3A_364 masked %eq3A_4 : memref<512xf32, #tpu.memory_space<vmem>>[vector<16xi32>], vector<16xf32>, vector<16xi1>
    } {sc.loop_unroll_factor = 1 : i64, sc.parallel_access}
    "tpu.trace_stop"() : () -> ()
    "tpu.region"() ({
      %run_scoped3A = tpu.sem_alloc : memref<!tpu.dma_semaphore, #tpu.memory_space<semaphore_mem>>
      %dma_start3A_291 = tpu.memref_slice %arg5[%mul3A_2] : memref<16384xf32, #tpu.memory_space<hbm>> -> memref<512xf32, #tpu.memory_space<hbm>>
      %dma_start3A_292 = tpu.memref_slice %arg5[%mul3A_2] : memref<16384xf32, #tpu.memory_space<hbm>> -> memref<512xf32, #tpu.memory_space<hbm>>
      tpu.enqueue_dma source(%arg16 : memref<512xf32, #tpu.memory_space<vmem>>) target(%dma_start3A_292 : memref<512xf32, #tpu.memory_space<hbm>>) target_semaphore(%run_scoped3A : memref<!tpu.dma_semaphore, #tpu.memory_space<semaphore_mem>>)
      %dma_wait3A_293 = tpu.memref_slice %arg5[%mul3A_2] : memref<16384xf32, #tpu.memory_space<hbm>> -> memref<512xf32, #tpu.memory_space<hbm>>
      %dma_wait3A_294 = tpu.memref_slice %arg5[%mul3A_2] : memref<16384xf32, #tpu.memory_space<hbm>> -> memref<512xf32, #tpu.memory_space<hbm>>
      tpu.wait_dma2 semaphore(%run_scoped3A : memref<!tpu.dma_semaphore, #tpu.memory_space<semaphore_mem>>) src(%arg16 : memref<512xf32, #tpu.memory_space<vmem>>) dst(%dma_wait3A_294 : memref<512xf32, #tpu.memory_space<hbm>>)
      tpu.yield
    }) : () -> ()
    return
  }
}

</mosaic_0001>

<sc_bundles>
// kernel: kernel.3.cloned.1.call-start
scs
__scs_entry_jumppad:
0x0: {  	(pc) =	sbr.rel $0x88, $3  }
0x1: {  	(tag) =	ssettag $0x0;
	lr =	simm.s32 $0x1  }
0x2: {  	[smem:$0x3F9F] =	sst lr;
	_ =	strace $0xD0000000  }
0x3: {  	_ = 	snop  }
0x4: {  	_ = 	snop  }
0x5: {  	_ = 	snop  }
0x6: {  	_ = 	snop  }
0x7: {  	_ = 	snop  }
__scs_overlays_trampoline_lowered:
0x8: {  	[smem:$0x3FAE] =	sst s0  }
0x9: {  	[smem:$0x3FAF] =	sst s1  }
0xa: {  	[smem:$0x3FB0] =	sst s2  }
0xb: {  	[smem:$0x3FB1] =	sst s3  }
0xc: {  	[smem:$0x3FB2] =	sst s4  }
0xd: {  	[smem:$0x3FB3] =	sst s5  }
0xe: {  	[smem:$0x3FB4] =	sst s6  }
0xf: {  	[smem:$0x3FB5] =	sst s7  }
0x10: {  	[smem:$0x3FB6] =	sst s8  }
0x11: {  	[smem:$0x3FB7] =	sst s9;
	s0 =	simm.s32 @!p0 $0x0  }
0x12: {  	s1 =	sld [smem:$0x3F9D];
	s0 =	simm.s32 @p0 $0x1  }
0x13: {  	[smem:$0x3FB8] =	sst s0;
	s0 =	simm.s32 @!p1 $0x0  }
0x14: {  	s2 =	sld [smem:$0x3F9C];
	s0 =	simm.s32 @p1 $0x1  }
0x15: {  	[smem:$0x3FB9] =	sst s0;
	s0 =	simm.s32 @!p2 $0x0  }
0x16: {  	s3 =	sld [smem:$0x3FDB];
	s0 =	simm.s32 @p2 $0x1  }
0x17: {  	s4 =	simm.s32 $0x1BF5;
	[smem:$0x3FBB] =	sst s0  }
0x18: {  	s0 =	sld [smem:$0x3F9E];
	_ =	swait.ge [sflag:s4], $0x0  }
0x19: {  	s7 =	sld [smem:$0x3F9F]  }
0x1a: {  	s8 =	sadd.s32 $0xFFFFE003, lr  }
0x1b: {  	s9 =	sadd.s32 $0xFFFFFEF7, lr;
	s5 =	simm.s32 $0xFFFFFFFF;
	p2 =	slt.u32 s8, $0xFFFFF086  }
0x1c: {  	p1 =	slt.u32 s9, $0xF7A;
	s5 =	simm.s32 @!p2 $0x0  }
0x1d: {  	s5 =	simm.s32 @p1 $0x1;
	p0 =	seq.s32 s7, s2  }
0x1e: {  	s7 =	smul.u32 @!p0 $0xF7A, s2;
	p2 =	seq.s32 @!p0 s5, $0x0  }
0x1f: {  	s9 =	smul.u32 $0xF7A, s1;
	s8 =	simm.s32 @!p0 $0x1BF5;
	p2 =	por !p2, p0  }
0x20: {  	[sflag:s8] =	ssyncset.s32 @!p0 $0xFFFFF086;
	s6 =	sadd.s32 @!p0 s3, s7;
	s7 =	simm.s32 @!p0 $0x108  }
0x21: {  	s3 =	sadd.s32 s3, s9;
	s6 =	sadd.s32 @!p0 $0x88, s6;
	s7 =	simm.s32 @p2 $0x1082  }
0x22: {  	[simem:s7], [sflag:s8] =	dma.local @!p0 [hbm:s6], $0xF7A  }
0x23: {  	s9 =	sor.u32 $0xD0000000, s2;
	s6 =	simm.s32 $0x108;
	_ =	swait.ge @!p0 [sflag:s8], $0x0  }
0x24: {  	s3 =	sadd.s32 $0x88, s3;
	s6 =	simm.s32 @!p1 $0x1082;
	[sflag:s4] =	ssyncset.s32 $0xFFFFF086  }
0x25: {  	[simem:s6], [sflag:s4] =	dma.local [hbm:s3], $0xF7A  }
0x26: {  	[smem:$0x3F9F] =	sst s1;
	(tag) =	ssettag s2;
	_ =	strace s9  }
0x27: {  	s1 =	sld [smem:$0x3FAF]  }
0x28: {  	s2 =	sld [smem:$0x3FB0]  }
0x29: {  	s4 =	sld [smem:$0x3FB2]  }
0x2a: {  	p0 =	seq.s32 s5, $0x0;
	s5 =	sld [smem:$0x3FB3]  }
0x2b: {  	s6 =	sld [smem:$0x3FB4]  }
0x2c: {  	s7 =	sld [smem:$0x3FB5]  }
0x2d: {  	s3 =	simm.s32 $0x108;
	s8 =	sld [smem:$0x3FB6]  }
0x2e: {  	s3 =	simm.s32 @!p0 $0x1082;
	s9 =	sld [smem:$0x3FB7]  }
0x2f: {  	lr =	sadd.s32 s0, s3;
	s0 =	sld [smem:$0x3FAE]  }
0x30: {  	s3 =	sld [smem:$0x3FB1]  }
0x31: {  	[smem:$0x3FBA] =	sst s10  }
0x32: {  	s10 =	sld [smem:$0x3FB8];
	_ =	sdelay $0x3  }
0x33: {  	p0 =	seq.s32 s10, $0x1;
	s10 =	sld [smem:$0x3FBA];
	_ =	sdelay $0x3  }
0x34: {  	[smem:$0x3FBA] =	sst s10  }
0x35: {  	s10 =	sld [smem:$0x3FB9];
	_ =	sdelay $0x3  }
0x36: {  	p1 =	seq.s32 s10, $0x1;
	s10 =	sld [smem:$0x3FBA];
	_ =	sdelay $0x3  }
0x37: {  	[smem:$0x3FBA] =	sst s10  }
0x38: {  	s10 =	sld [smem:$0x3FBB]  }
0x39: {  	_ = 	snop;
	(pc) =	sbr.ind lr, $3  }
0x3a: {  	_ = 	snop  }
0x3b: {  	_ = 	snop  }
0x3c: {  	p2 =	seq.s32 s10, $0x1;
	s10 =	sld [smem:$0x3FBA]  }
0x3d: {  	_ =	shalt  }
0x3e: {  	_ =	shalt  }
0x3f: {  	_ =	shalt  }
0x40: {  	_ =	shalt  }
0x41: {  	_ =	shalt  }
0x42: {  	_ =	shalt  }
0x43: {  	_ =	shalt  }
0x44: {  	_ =	shalt  }
0x45: {  	_ =	shalt  }
0x46: {  	_ =	shalt  }
0x47: {  	_ =	shalt  }
0x48: {  	_ =	shalt  }
0x49: {  	_ =	shalt  }
0x4a: {  	_ =	shalt  }
0x4b: {  	_ =	shalt  }
0x4c: {  	_ =	shalt  }
0x4d: {  	_ =	shalt  }
0x4e: {  	_ =	shalt  }
0x4f: {  	_ =	shalt  }
0x50: {  	_ =	shalt  }
0x51: {  	_ =	shalt  }
0x52: {  	_ =	shalt  }
0x53: {  	_ =	shalt  }
0x54: {  	_ =	shalt  }
0x55: {  	_ =	shalt  }
0x56: {  	_ =	shalt  }
0x57: {  	_ =	shalt  }
0x58: {  	_ =	shalt  }
0x59: {  	_ =	shalt  }
0x5a: {  	_ =	shalt  }
0x5b: {  	_ =	shalt  }
0x5c: {  	_ =	shalt  }
0x5d: {  	_ =	shalt  }
0x5e: {  	_ =	shalt  }
0x5f: {  	_ =	shalt  }
0x60: {  	_ =	shalt  }
0x61: {  	_ =	shalt  }
0x62: {  	_ =	shalt  }
0x63: {  	_ =	shalt  }
0x64: {  	_ =	shalt  }
0x65: {  	_ =	shalt  }
0x66: {  	_ =	shalt  }
0x67: {  	_ =	shalt  }
0x68: {  	_ =	shalt  }
0x69: {  	_ =	shalt  }
0x6a: {  	_ =	shalt  }
0x6b: {  	_ =	shalt  }
0x6c: {  	_ =	shalt  }
0x6d: {  	_ =	shalt  }
0x6e: {  	_ =	shalt  }
0x6f: {  	_ =	shalt  }
0x70: {  	_ =	shalt  }
0x71: {  	_ =	shalt  }
0x72: {  	_ =	shalt  }
0x73: {  	_ =	shalt  }
0x74: {  	_ =	shalt  }
0x75: {  	_ =	shalt  }
0x76: {  	_ =	shalt  }
0x77: {  	_ =	shalt  }
0x78: {  	_ =	shalt  }
0x79: {  	_ =	shalt  }
0x7a: {  	_ =	shalt  }
0x7b: {  	_ =	shalt  }
0x7c: {  	_ =	shalt  }
0x7d: {  	_ =	shalt  }
0x7e: {  	_ =	shalt  }
0x7f: {  	_ =	shalt  }
0x80: {  	_ =	shalt  }
0x81: {  	_ =	shalt  }
0x82: {  	_ =	shalt  }
0x83: {  	_ =	shalt  }
0x84: {  	_ =	shalt  }
0x85: {  	_ =	shalt  }
0x86: {  	_ =	shalt  }
0x87: {  	_ =	shalt  }
.Lfunc_end0:
.L_simem_size_0:
called_computation_lowered:
.L_overlay_start_0:
0x88: {  	s2 =	sld [smem:$0x3FD9]  }
0x89: {  	s3 =	sld [smem:$0x3FFE];
	_ =	sdelay $0x1  }
0x8a: {  	s1 =	srdreg.scid  }
0x8b: {  	s0 =	sand.u32 $0x1, s1  }
0x8c: {  	s17 =	sshll.u32 s0, $0xA;
	s2 =	sadd.s32 s3, s2  }
0x8d: {  	s2 =	sadd.s32 s2, s17  }
0x8e: {  	[smem:$0x3FC6] =	sst s2  }
0x8f: {  	_ = 	snop  }
0x90: {  	s2 =	sld [smem:$0x3FC8]  }
0x91: {  	s18 =	sld [smem:$0x3FD0];
	(tm) =	ssettm $0x1  }
0x92: {  	s4 =	sld [smem:$0x3FFB];
	_ =	sdelay $0x3  }
0x93: {  	_ =	strace s4  }
0x94: {  	s4 =	sld [smem:$0x3FFC];
	_ =	sdelay $0x3  }
0x95: {  	_ =	strace s4  }
0x96: {  	s4 =	sld [smem:$0x3FFD];
	_ =	sdelay $0x3  }
0x97: {  	_ =	strace s4  }
0x98: {  	_ =	strace $0x8FFFFFFF  }
0x99: {  	s19 =	sld [smem:$0x3FDB];
	_ =	sdelay $0x1  }
0x9a: {  	s5 =	simm.s32 $_scs_section_size  }
0x9b: {  	s6 =	simm.s32 $_size__tile_overlayer_lowered;
	s7 =	simm.s32 $_tile_overlayer_lowered  }
0x9c: {  	s22 =	simm.s32 $0x1BFF;
	s21 =	sshll.u32 s7, $0x1;
	s4 =	sadd.s32 s5, s19  }
0x9d: {  	s8 =	simm.s32 $0x0;
	s20 =	sshll.u32 s6, $0x1;
	s6 =	sadd.s32 s21, s4  }
0x9e: {  	[timem:s8], [sflag:s22] =	dma.local [hbm:s6], s20  }
0x9f: {  	_ =	swait.ge [sflag:s22], s20  }
0xa0: {  	s5 =	ssub.s32 $0x0, s20;
	[sflag:s22] =	ssyncset.done $0x0  }
0xa1: {  	[sflag:s22] =	ssyncadd.s32 s5;
	_ =	sdelay $0x1  }
0xa2: {  	s23 =	simm.s32 $0x1B8B  }
0xa3: {  	_ =	swait.ge [sflag:s23], $0x1  }
0xa4: {  	[sflag:s23] =	ssyncset.done $0x0  }
0xa5: {  	s25 =	simm.s32 $0x1B8E;
	s24 =	sld [smem:$0x3FFE];
	[sflag:s23] =	ssyncadd.s32 $0xFFFFFFFF  }
0xa6: {  	s26 =	simm.s32 $execute0_lowered;
	[smem:$0x3FD2] =	sst s25  }
0xa7: {  	s6 =	sshll.u32 s26, $0x1;
	_ =	strace $0x80000046;
	[dreg:$0x1] =	wrdreg $0xFFFFFFFF  }
0xa8: {  	s28 =	simm.s32 $_size_execute0_lowered;
	s4 =	sadd.s32 s4, s6;
	[dreg:$0x0] =	wrdreg $0x0  }
0xa9: {  	s6 =	sshll.u32 s28, $0x1;
	[dreg:$0x2] =	wrdreg s4  }
0xaa: {  	[dreg:$0x3] =	wrdreg s6  }
0xab: {  	[dreg:$0x4] =	wrdreg $0xC0  }
0xac: {  	_ =	task [dreg:s8], $0x5FFFF  }
0xad: {  	[dreg:$0x1] =	wrdreg $0xFFFFFFFF  }
0xae: {  	[dreg:$0x0] =	wrdreg $0x60  }
0xaf: {  	[dreg:$0x2] =	wrdreg s24  }
0xb0: {  	[dreg:$0x3] =	wrdreg s2  }
0xb1: {  	[dreg:$0x4] =	wrdreg s18  }
0xb2: {  	[dreg:$0x5] =	wrdreg $0x9  }
0xb3: {  	_ =	task.clear_ibuf [dreg:s8], $0x6FFFF;
	_ =	strace $0x90000046  }
0xb4: {  	s29 =	simm.s32 $0x9;
	_ =	strace $0x80000058  }
0xb5: {  	_ =	swait.ge [sflag:s29], $0x1  }
0xb6: {  	[sflag:s29] =	ssyncadd.s32 $0xFFFFFFFF  }
0xb7: {  	_ =	strace $0x90000058  }
0xb8: {  	_ =	sfence  }
0xb9: {  	s30 =	sld [smem:$0x0];
	_ =	sdelay $0x2  }
0xba: {  	s31 =	sshll.u32 s1, $0xD;
	s1 =	sshrl.u32 s1, $0x2  }
0xbb: {  	s3 =	sand.u32 $0x4000, s31;
	s1 =	sadd.s32 s1, s30  }
0xbc: {  	s0 =	sor.u32 s3, s0;
	s1 =	sshll.u32 s1, $0x11  }
0xbd: {  	s0 =	sor.u32 s1, s0  }
0xbe: {  	s0 =	sadd.s32 $0x8F2B, s0  }
0xbf: {  	[sflag:s0] =	ssyncadd.remote.s32 $0x1  }
0xc0: {  	_ =	sfence.sel $0xFFFF  }
0xc1: {  	[dreg:$0x0] =	wrdreg $0xFFFFFFFF;
	(pc) =	sbr.abs _section_cstart, $3  }
0xc2: {  	[dreg:$0x1] =	wrdreg $0xFFFFFFFF  }
0xc3: {  	_ =	task.clear_ibuf [dreg:s8], $0x2FFFF;
	_ =	strace $0x9FFFFFFF  }
0xc4: {  	(tm) =	ssettm $0x7FFFFFFF  }
0xc5: {  	_ =	shalt  }
tec
execute0_lowered:
.L_overlay_start_1:
0x0: {  	(tag) =	ssettag $0x1  }
0x1: {  	s0 =	rddreg [dreg:$0x0]  }
0x2: {  	s2 =	rddreg [dreg:$0x1];
	s1 =	srdreg.scid  }
0x3: {  	s6 =	rddreg [dreg:$0x2];
	s3 =	stileid.u32;
	s8 =	simm.s32 $0x200  }
0x4: {  	s9 =	simm.s32 $0x1;
	s10 =	simm.s32 $0x2;
	s11 =	simm.s32 $0x40  }
0x5: {  	s12 =	simm.s32 $0x400;
	s13 =	simm.s32 $0x8400;
	s14 =	simm.s32 $0x2400  }
0x6: {  	s16 =	simm.s32 $0xA400;
	s18 =	simm.s32 $0x4400;
	s20 =	simm.s32 $0xC400  }
0x7: {  	s22 =	simm.s32 $0x6400;
	s24 =	simm.s32 $0xE400;
	s25 =	simm.s32 $0x10400  }
0x8: {  	s31 =	simm.s32 $0x3;
	s15 =	simm.s32 $0x4;
	s17 =	simm.s32 $0x1C0  }
0x9: {  	s19 =	simm.s32 $0x3C0;
	s21 =	simm.s32 $0x5;
	s23 =	simm.s32 $0x0  }
0xa: {  	s1 =	sand.u32 $0x1, s1;
	s4 =	sshll.u32 s3, $0x7;
	s3 =	simm.s32 $0x0  }
0xb: {  	s5 =	sshll.u32 s1, $0x6;
	s1 =	ssub.s32 $0x2, s1;
	[smem:$0x7FF] =	sst s3  }
0xc: {  	s7 =	sor.u32 s5, s4;
	s30 =	sshrl.u32 s1, $0x1;
	_ =	strace $0x80000047  }
0xd: {  	s0 =	sadd.s32 s7, s0;
	s1 =	ssub.s32 s1, s30;
	s6 =	sadd.s32 s6, s7  }
0xe: {  	vm0 =	vcmask $0x3F3C;
	s4 =	sadd.s32 $0xE00, s0;
	s5 =	sadd.s32 $0x600, s0;
	s7 =	smax.u32 s1, $0x1  }
.LBB2_1:
0xf: {  	[tilespmem:s3], [sflag:$0x1] =	stream.linear.gather [hbm4b:s4+s3], $0x200, $0x38;
	[tilespmem:$0x10600] =	vst v63  }
0x10: {  	_ = 	snop  }
0x11: {  	[tilespmem:s8], [sflag:$0x2] =	stream.linear.gather [hbm4b:s5+s3], $0x200, $0x38;
	[tilespmem:$0x10600] =	vst v63  }
0x12: {  	_ =	swait.ge [sflag:s9], $0x200  }
0x13: {  	[sflag:s9] =	ssyncset.done $0x0  }
0x14: {  	[sflag:s9] =	ssyncadd.s32 $0xFFFFFE00  }
0x15: {  	_ =	swait.ge [sflag:s10], $0x200  }
0x16: {  	[sflag:s10] =	ssyncset.done $0x0  }
0x17: {  	[sflag:s10] =	ssyncadd.s32 $0xFFFFFE00  }
0x18: {  	[tilespmem:s12], [sflag:$0x1] =	stream.indirect.gather [hbm4b:s2+s11], $0x80, s3, s11, $0xb8;
	[tilespmem:$0x10600] =	vst v63  }
0x19: {  	_ = 	snop  }
0x1a: {  	[tilespmem:s13], [sflag:$0x1] =	stream.indirect.gather [hbm4b:s2+s11], $0x80, s8, s11, $0xb8;
	[tilespmem:$0x10600] =	vst v63  }
0x1b: {  	_ = 	snop  }
0x1c: {  	[tilespmem:s14], [sflag:$0x2] =	stream.indirect.gather [hbm4b:s2+s11], $0x80, s11, s11, $0xb8;
	[tilespmem:$0x10600] =	vst v63  }
0x1d: {  	s0 =	simm.s32 $0x240  }
0x1e: {  	[tilespmem:s16], [sflag:$0x2] =	stream.indirect.gather [hbm4b:s2+s11], $0x80, s0, s11, $0xb8;
	[tilespmem:$0x10600] =	vst v63  }
0x1f: {  	s26 =	simm.s32 $0x80  }
0x20: {  	[tilespmem:s18], [sflag:$0x3] =	stream.indirect.gather [hbm4b:s2+s11], $0x80, s26, s11, $0xb8;
	[tilespmem:$0x10600] =	vst v63  }
0x21: {  	s1 =	simm.s32 $0x280  }
0x22: {  	[tilespmem:s20], [sflag:$0x3] =	stream.indirect.gather [hbm4b:s2+s11], $0x80, s1, s11, $0xb8;
	[tilespmem:$0x10600] =	vst v63  }
0x23: {  	s26 =	simm.s32 $0xC0  }
0x24: {  	[tilespmem:s22], [sflag:$0x4] =	stream.indirect.gather [hbm4b:s2+s11], $0x80, s26, s11, $0xb8;
	[tilespmem:$0x10600] =	vst v63  }
0x25: {  	s1 =	simm.s32 $0x2C0  }
0x26: {  	[tilespmem:s24], [sflag:$0x4] =	stream.indirect.gather [hbm4b:s2+s11], $0x80, s1, s11, $0xb8;
	[tilespmem:$0x10600] =	vst v63  }
0x27: {  	_ =	strace $0x80000048  }
0x28: {  	_ =	swait.ge [sflag:s9], $0x2000  }
0x29: {  	[sflag:s9] =	ssyncset.done $0x0  }
0x2a: {  	[sflag:s9] =	ssyncadd.s32 $0xFFFFE000  }
0x2b: {  	_ =	swait.ge [sflag:s9], $0x2000  }
0x2c: {  	[sflag:s9] =	ssyncset.done $0x0  }
0x2d: {  	[sflag:s9] =	ssyncadd.s32 $0xFFFFE000  }
0x2e: {  	_ =	strace $0x90000048  }
0x2f: {  	s26 =	simm.s32 $0x440;
	_ =	strace $0x80000049  }
0x30: {  	s1 =	simm.s32 $0x8440;
	v0 =	vld [tilespmem:s26+$0xFFFFFFC0]  }
0x31: {  	v1 =	vld [tilespmem:s1+$0xFFFFFFC0]  }
0x32: {  	v2 =	vld [tilespmem:s26+$0xFFFFFFD0]  }
0x33: {  	v3 =	vld [tilespmem:s1+$0xFFFFFFD0]  }
0x34: {  	v4 =	vld [tilespmem:s26+$0xFFFFFFE0]  }
0x35: {  	v5 =	vld [tilespmem:s1+$0xFFFFFFE0]  }
0x36: {  	v6 =	vld [tilespmem:s26+$0xFFFFFFF0]  }
0x37: {  	v7 =	vld [tilespmem:s1+$0xFFFFFFF0]  }
0x38: {  	v8 =	vld [tilespmem:s26+$0x0]  }
0x39: {  	v9 =	vld [tilespmem:s1+$0x0]  }
0x3a: {  	v10 =	vld [tilespmem:s26+$0x10]  }
0x3b: {  	v11 =	vld [tilespmem:s1+$0x10]  }
0x3c: {  	v12 =	vld [tilespmem:s26+$0x20]  }
0x3d: {  	v13 =	vld [tilespmem:s1+$0x20]  }
0x3e: {  	v14 =	vld [tilespmem:s26+$0x30]  }
0x3f: {  	v15 =	vld [tilespmem:s1+$0x30];
	s1 =	simm.s32 $0x4C0  }
0x40: {  	s26 =	simm.s32 $0x84C0;
	v16 =	vld [tilespmem:s1+$0xFFFFFFC0]  }
0x41: {  	v17 =	vld [tilespmem:s26+$0xFFFFFFC0];
	v0 =	vmul.f32 v1, v0;
	v1 =	vmul.f32 v3, v2  }
0x42: {  	v18 =	vld [tilespmem:s1+$0xFFFFFFD0];
	v2 =	vmul.f32 v5, v4;
	v3 =	vmul.f32 v7, v6  }
0x43: {  	v19 =	vld [tilespmem:s26+$0xFFFFFFD0];
	v4 =	vmul.f32 v9, v8;
	v5 =	vmul.f32 v11, v10  }
0x44: {  	v20 =	vld [tilespmem:s1+$0xFFFFFFE0];
	v8 =	vmul.f32 v13, v12;
	v9 =	vmul.f32 v15, v14  }
0x45: {  	v21 =	vld [tilespmem:s26+$0xFFFFFFE0];
	v0 =	vadd.f32 v1, v0;
	v1 =	vadd.f32 v3, v2  }
0x46: {  	v22 =	vld [tilespmem:s1+$0xFFFFFFF0];
	v2 =	vadd.f32 v5, v4;
	v3 =	vadd.f32 v9, v8  }
0x47: {  	v23 =	vld [tilespmem:s26+$0xFFFFFFF0]  }
0x48: {  	v6 =	vld [tilespmem:s1+$0x0];
	v0 =	vadd.f32 v1, v0;
	v1 =	vadd.f32 v3, v2  }
0x49: {  	v7 =	vld [tilespmem:s26+$0x0]  }
0x4a: {  	v10 =	vld [tilespmem:s1+$0x10];
	v1 =	vadd.f32 v1, v0  }
0x4b: {  	v11 =	vld [tilespmem:s26+$0x10]  }
0x4c: {  	v12 =	vld [tilespmem:s1+$0x30];
	(xrf2) =	vadd.scan.msk.f32 $0xffff, v1  }
0x4d: {  	v13 =	vld [tilespmem:s26+$0x30]  }
0x4e: {  	v8 =	vld [tilespmem:s1+$0x20]  }
0x4f: {  	s29 =	simm.s32 $0x8540;
	v9 =	vld [tilespmem:s26+$0x20]  }
0x50: {  	s1 =	simm.s32 $0x540;
	v5 =	vld [tilespmem:s29+$0xFFFFFFE0]  }
0x51: {  	v14 =	vmul.f32 v17, v16;
	v15 =	vmul.f32 v19, v18;
	v4 =	vld [tilespmem:s1+$0xFFFFFFC0]  }
0x52: {  	v16 =	vmul.f32 v21, v20;
	v17 =	vmul.f32 v23, v22;
	v2 =	vld [tilespmem:s29+$0xFFFFFFD0]  }
0x53: {  	v3 =	vld [tilespmem:s1+$0xFFFFFFE0];
	v63 =	vmul.f32 v7, v6;
	v10 =	vmul.f32 v11, v10  }
0x54: {  	v6 =	vld [tilespmem:s1+$0xFFFFFFF0];
	v11 =	vmul.f32 v13, v12;
	v9 =	vmul.f32 v9, v8  }
0x55: {  	v7 =	vld [tilespmem:s29+$0xFFFFFFF0];
	v12 =	vadd.f32 v15, v14;
	v13 =	vadd.f32 v17, v16  }
0x56: {  	v0 =	vld [tilespmem:s29+$0xFFFFFFC0];
	v14 =	vadd.f32 v10, v63;
	v11 =	vadd.f32 v11, v9;
	v15, _, _ =	vpop (xrf2)  }
0x57: {  	v8 =	vld [tilespmem:s1+$0x0];
	v15 =	vmul.f32 $1.442695020e+00, v15  }
0x58: {  	v10 =	vld [tilespmem:s1+$0x10];
	v13 =	vadd.f32 v13, v12;
	v14 =	vadd.f32 v11, v14  }
0x59: {  	v12 =	vld [tilespmem:s29+$0x10];
	(erf) = vpow2.f32 v15  }
0x5a: {  	v1 =	vld [tilespmem:s1+$0xFFFFFFD0];
	v16 =	vadd.f32 v14, v13  }
0x5b: {  	v9 =	vld [tilespmem:s29+$0x0]  }
0x5c: {  	v11 =	vld [tilespmem:s1+$0x20];
	(xrf2) =	vadd.scan.msk.f32 $0xffff, v16  }
0x5d: {  	v13 =	vld [tilespmem:s29+$0x20]  }
0x5e: {  	s28 =	simm.s32 $0x2;
	s30 =	simm.s32 $0x0;
	v14 =	vld [tilespmem:s1+$0x30]  }
0x5f: {  	s0 =	simm.s32 $0x5C0;
	s26 =	simm.s32 $0x1;
	s1 =	simm.s32 $0x3;
	v15 =	vld [tilespmem:s29+$0x30]  }
.LBB2_2:
0x60: {  	v16 =	vld [tilespmem:s0+$0xFFFFFFC0];
	p0 =	sne.s32 s1, $0x3F;
	s29 =	sadd.s32 $0x80, s29  }
0x61: {  	v4 =	vmul.f32 v0, v4;
	v17 =	vmul.f32 v2, v1;
	v0 =	vld [tilespmem:s29+$0xFFFFFFC0]  }
0x62: {  	v18 =	vmul.f32 v5, v3;
	v6 =	vmul.f32 v7, v6;
	v1 =	vld [tilespmem:s0+$0xFFFFFFD0];
	v3 =	vpop (erf)  }
0x63: {  	v7 =	vmul.f32 v9, v8;
	v19 =	vmul.f32 v12, v10;
	v2 =	vld [tilespmem:s29+$0xFFFFFFD0];
	v9 =	vadd.f32 $1.000000000e+00, v3  }
0x64: {  	v10 =	vmul.f32 v13, v11;
	v3 =	vld [tilespmem:s0+$0xFFFFFFE0];
	v11 =	vmul.f32 v15, v14  }
0x65: {  	v12 =	vadd.f32 v17, v4;
	v13 =	vadd.f32 v6, v18;
	v5 =	vld [tilespmem:s29+$0xFFFFFFE0];
	(erf) = vrcp.f32 v9;
	v4 =	vmovc v16  }
0x66: {  	v9 =	vadd.f32 v19, v7;
	v6 =	vld [tilespmem:s0+$0xFFFFFFF0];
	v10 =	vadd.f32 v11, v10;
	v8, _, _ =	vpop (xrf2)  }
0x67: {  	v7 =	vld [tilespmem:s29+$0xFFFFFFF0];
	v11 =	vmul.f32 $1.442695020e+00, v8  }
0x68: {  	v12 =	vadd.f32 v13, v12;
	v8 =	vld [tilespmem:s0+$0x0];
	v13 =	vadd.f32 v10, v9  }
0x69: {  	v9 =	vld [tilespmem:s29+$0x0];
	(erf) = vpow2.f32 v11  }
0x6a: {  	v16 =	vmov s30;
	s30 =	smov.u32 s26;
	s26 =	smov.u32 s28;
	s28 =	smov.u32 s1;
	v10 =	vld [tilespmem:s0+$0x10];
	v13 =	vadd.f32 v13, v12  }
.Ltmp0:
0x6b: {  	v12 =	vld [tilespmem:s29+$0x10];
	(pc) =	sbr.rel @p0 .LBB2_2-.Ltmp0, $4  }
0x6c: {  	v11 =	vld [tilespmem:s0+$0x20];
	(xrf2) =	vadd.scan.msk.f32 $0xffff, v13  }
0x6d: {  	v13 =	vld [tilespmem:s29+$0x20]  }
0x6e: {  	v14 =	vld [tilespmem:s0+$0x30];
	v17 =	vpop (erf)  }
0x6f: {  	s1 =	sadd.s32 $0x1, s1;
	s0 =	sadd.s32 $0x80, s0;
	v15 =	vld [tilespmem:s29+$0x30];
	[tilespmem:v16+s25+$0x0] =	vst.idx.msk vm0, v17  }
0x70: {  	_ =	sdelay $0x1  }
0x71: {  	v0 =	vmul.f32 v0, v4;
	v1 =	vmul.f32 v2, v1  }
0x72: {  	v2 =	vmul.f32 v5, v3;
	v3 =	vmul.f32 v7, v6  }
0x73: {  	v6 =	vmul.f32 v13, v11;
	v7 =	vmul.f32 v15, v14  }
0x74: {  	v4 =	vmul.f32 v9, v8;
	v5 =	vmul.f32 v12, v10;
	v0 =	vadd.f32 v1, v0  }
0x75: {  	v1 =	vadd.f32 v3, v2;
	v3 =	vadd.f32 v7, v6  }
0x76: {  	v2 =	vadd.f32 v5, v4;
	_ =	sdelay $0x1  }
0x77: {  	v4 =	vpop (erf);
	v0 =	vadd.f32 v1, v0;
	v1 =	vadd.f32 v3, v2  }
0x78: {  	v2 =	vadd.f32 $1.000000000e+00, v4;
	v3, _, _ =	vpop (xrf2)  }
0x79: {  	v0 =	vadd.f32 v1, v0;
	v3 =	vmul.f32 $1.442695020e+00, v3  }
0x7a: {  	(erf) = vrcp.f32 v2  }
0x7b: {  	(xrf2) =	vadd.scan.msk.f32 $0xffff, v0;
	(erf) = vpow2.f32 v3;
	_ =	sdelay $0x7  }
0x7c: {  	v0 =	vpop (erf)  }
0x7d: {  	v1 =	vpop (erf)  }
0x7e: {  	v2, _, _ =	vpop (xrf2);
	v1 =	vadd.f32 $1.000000000e+00, v1  }
0x7f: {  	v2 =	vmul.f32 $1.442695020e+00, v2  }
0x80: {  	(erf) = vrcp.f32 v1  }
0x81: {  	(erf) = vpow2.f32 v2;
	_ =	sdelay $0x7  }
0x82: {  	v1 =	vpop (erf)  }
0x83: {  	v2 =	vpop (erf)  }
0x84: {  	v2 =	vadd.f32 $1.000000000e+00, v2;
	_ =	sdelay $0x1  }
0x85: {  	(erf) = vrcp.f32 v2;
	_ =	sdelay $0x2  }
0x86: {  	v3 =	vmov s26  }
0x87: {  	v2 =	vmov s30  }
0x88: {  	v4 =	vmov s28;
	_ =	sdelay $0x2  }
0x89: {  	[tilespmem:v3+s25+$0x0] =	vst.idx.msk vm0, v1  }
0x8a: {  	[tilespmem:v2+s25+$0x0] =	vst.idx.msk vm0, v0;
	v0 =	vpop (erf)  }
0x8b: {  	[tilespmem:v4+s25+$0x0] =	vst.idx.msk vm0, v0  }
0x8c: {  	s0 =	simm.s32 $0x100;
	s26 =	simm.s32 $0x40;
	_ =	strace $0x90000049  }
0x8d: {  	[tilespmem:s12], [sflag:$0x1] =	stream.indirect.gather [hbm4b:s2+s26], $0x80, s0, s26, $0xb8;
	[tilespmem:$0x10600] =	vst v63  }
0x8e: {  	s1 =	simm.s32 $0x300  }
0x8f: {  	[tilespmem:s13], [sflag:$0x1] =	stream.indirect.gather [hbm4b:s2+s26], $0x80, s1, s26, $0xb8;
	[tilespmem:$0x10600] =	vst v63  }
0x90: {  	_ =	strace $0x8000004A  }
0x91: {  	_ =	swait.ge [sflag:s10], $0x2000  }
0x92: {  	[sflag:s10] =	ssyncset.done $0x0  }
0x93: {  	[sflag:s10] =	ssyncadd.s32 $0xFFFFE000  }
0x94: {  	_ =	swait.ge [sflag:s10], $0x2000  }
0x95: {  	[sflag:s10] =	ssyncset.done $0x0  }
0x96: {  	[sflag:s10] =	ssyncadd.s32 $0xFFFFE000  }
0x97: {  	_ =	strace $0x9000004A  }
0x98: {  	s0 =	simm.s32 $0x2440;
	_ =	strace $0x8000004B  }
0x99: {  	s1 =	simm.s32 $0xA440;
	v0 =	vld [tilespmem:s0+$0xFFFFFFC0]  }
0x9a: {  	v1 =	vld [tilespmem:s1+$0xFFFFFFC0]  }
0x9b: {  	v2 =	vld [tilespmem:s0+$0xFFFFFFD0]  }
0x9c: {  	v3 =	vld [tilespmem:s1+$0xFFFFFFD0]  }
0x9d: {  	v4 =	vld [tilespmem:s0+$0xFFFFFFE0]  }
0x9e: {  	v5 =	vld [tilespmem:s1+$0xFFFFFFE0]  }
0x9f: {  	v6 =	vld [tilespmem:s0+$0xFFFFFFF0]  }
0xa0: {  	v7 =	vld [tilespmem:s1+$0xFFFFFFF0]  }
0xa1: {  	v8 =	vld [tilespmem:s0+$0x0]  }
0xa2: {  	v9 =	vld [tilespmem:s1+$0x0]  }
0xa3: {  	v10 =	vld [tilespmem:s0+$0x10]  }
0xa4: {  	v11 =	vld [tilespmem:s1+$0x10]  }
0xa5: {  	v12 =	vld [tilespmem:s0+$0x20]  }
0xa6: {  	v13 =	vld [tilespmem:s1+$0x20]  }
0xa7: {  	v14 =	vld [tilespmem:s0+$0x30]  }
0xa8: {  	v15 =	vld [tilespmem:s1+$0x30];
	s0 =	simm.s32 $0x24C0  }
0xa9: {  	s1 =	simm.s32 $0xA4C0;
	v16 =	vld [tilespmem:s0+$0xFFFFFFC0]  }
0xaa: {  	v17 =	vld [tilespmem:s1+$0xFFFFFFC0];
	v0 =	vmul.f32 v1, v0;
	v1 =	vmul.f32 v3, v2  }
0xab: {  	v18 =	vld [tilespmem:s0+$0xFFFFFFD0];
	v2 =	vmul.f32 v5, v4;
	v3 =	vmul.f32 v7, v6  }
0xac: {  	v19 =	vld [tilespmem:s1+$0xFFFFFFD0];
	v4 =	vmul.f32 v9, v8;
	v5 =	vmul.f32 v11, v10  }
0xad: {  	v20 =	vld [tilespmem:s0+$0xFFFFFFE0];
	v8 =	vmul.f32 v13, v12;
	v9 =	vmul.f32 v15, v14  }
0xae: {  	v21 =	vld [tilespmem:s1+$0xFFFFFFE0];
	v0 =	vadd.f32 v1, v0;
	v1 =	vadd.f32 v3, v2  }
0xaf: {  	v22 =	vld [tilespmem:s0+$0xFFFFFFF0];
	v2 =	vadd.f32 v5, v4;
	v3 =	vadd.f32 v9, v8  }
0xb0: {  	v23 =	vld [tilespmem:s1+$0xFFFFFFF0]  }
0xb1: {  	v6 =	vld [tilespmem:s0+$0x0];
	v0 =	vadd.f32 v1, v0;
	v1 =	vadd.f32 v3, v2  }
0xb2: {  	v7 =	vld [tilespmem:s1+$0x0]  }
0xb3: {  	v10 =	vld [tilespmem:s0+$0x10];
	v1 =	vadd.f32 v1, v0  }
0xb4: {  	v11 =	vld [tilespmem:s1+$0x10]  }
0xb5: {  	v12 =	vld [tilespmem:s0+$0x30];
	(xrf2) =	vadd.scan.msk.f32 $0xffff, v1  }
0xb6: {  	v13 =	vld [tilespmem:s1+$0x30]  }
0xb7: {  	v8 =	vld [tilespmem:s0+$0x20]  }
0xb8: {  	s30 =	simm.s32 $0xA540;
	v9 =	vld [tilespmem:s1+$0x20]  }
0xb9: {  	s1 =	simm.s32 $0x2540;
	v5 =	vld [tilespmem:s30+$0xFFFFFFE0]  }
0xba: {  	v14 =	vmul.f32 v17, v16;
	v15 =	vmul.f32 v19, v18;
	v4 =	vld [tilespmem:s1+$0xFFFFFFC0]  }
0xbb: {  	v16 =	vmul.f32 v21, v20;
	v17 =	vmul.f32 v23, v22;
	v2 =	vld [tilespmem:s30+$0xFFFFFFD0]  }
0xbc: {  	v3 =	vld [tilespmem:s1+$0xFFFFFFE0];
	v63 =	vmul.f32 v7, v6;
	v10 =	vmul.f32 v11, v10  }
0xbd: {  	v6 =	vld [tilespmem:s1+$0xFFFFFFF0];
	v11 =	vmul.f32 v13, v12;
	v9 =	vmul.f32 v9, v8  }
0xbe: {  	v7 =	vld [tilespmem:s30+$0xFFFFFFF0];
	v12 =	vadd.f32 v15, v14;
	v13 =	vadd.f32 v17, v16  }
0xbf: {  	v0 =	vld [tilespmem:s30+$0xFFFFFFC0];
	v14 =	vadd.f32 v10, v63;
	v11 =	vadd.f32 v11, v9;
	v15, _, _ =	vpop (xrf2)  }
0xc0: {  	v8 =	vld [tilespmem:s1+$0x0];
	v15 =	vmul.f32 $1.442695020e+00, v15  }
0xc1: {  	v10 =	vld [tilespmem:s1+$0x10];
	v13 =	vadd.f32 v13, v12;
	v14 =	vadd.f32 v11, v14  }
0xc2: {  	v12 =	vld [tilespmem:s30+$0x10];
	(erf) = vpow2.f32 v15  }
0xc3: {  	v1 =	vld [tilespmem:s1+$0xFFFFFFD0];
	v16 =	vadd.f32 v14, v13  }
0xc4: {  	v9 =	vld [tilespmem:s30+$0x0]  }
0xc5: {  	v11 =	vld [tilespmem:s1+$0x20];
	(xrf2) =	vadd.scan.msk.f32 $0xffff, v16  }
0xc6: {  	v13 =	vld [tilespmem:s30+$0x20]  }
0xc7: {  	s29 =	simm.s32 $0x42;
	v14 =	vld [tilespmem:s1+$0x30]  }
0xc8: {  	s28 =	simm.s32 $0x41;
	s0 =	simm.s32 $0x25C0;
	s1 =	simm.s32 $0x43;
	v15 =	vld [tilespmem:s30+$0x30]  }
.LBB2_4:
0xc9: {  	v16 =	vld [tilespmem:s0+$0xFFFFFFC0];
	p0 =	sne.s32 s1, $0x7F;
	s30 =	sadd.s32 $0x80, s30  }
0xca: {  	v4 =	vmul.f32 v0, v4;
	v17 =	vmul.f32 v2, v1;
	v0 =	vld [tilespmem:s30+$0xFFFFFFC0]  }
0xcb: {  	v18 =	vmul.f32 v5, v3;
	v6 =	vmul.f32 v7, v6;
	v1 =	vld [tilespmem:s0+$0xFFFFFFD0];
	v3 =	vpop (erf)  }
0xcc: {  	v7 =	vmul.f32 v9, v8;
	v19 =	vmul.f32 v12, v10;
	v2 =	vld [tilespmem:s30+$0xFFFFFFD0];
	v9 =	vadd.f32 $1.000000000e+00, v3  }
0xcd: {  	v10 =	vmul.f32 v13, v11;
	v3 =	vld [tilespmem:s0+$0xFFFFFFE0];
	v11 =	vmul.f32 v15, v14  }
0xce: {  	v12 =	vadd.f32 v17, v4;
	v13 =	vadd.f32 v6, v18;
	v5 =	vld [tilespmem:s30+$0xFFFFFFE0];
	(erf) = vrcp.f32 v9;
	v4 =	vmovc v16  }
0xcf: {  	v9 =	vadd.f32 v19, v7;
	v6 =	vld [tilespmem:s0+$0xFFFFFFF0];
	v10 =	vadd.f32 v11, v10;
	v8, _, _ =	vpop (xrf2)  }
0xd0: {  	v7 =	vld [tilespmem:s30+$0xFFFFFFF0];
	v11 =	vmul.f32 $1.442695020e+00, v8  }
0xd1: {  	v12 =	vadd.f32 v13, v12;
	v8 =	vld [tilespmem:s0+$0x0];
	v13 =	vadd.f32 v10, v9  }
0xd2: {  	v9 =	vld [tilespmem:s30+$0x0];
	(erf) = vpow2.f32 v11  }
0xd3: {  	v16 =	vmov s26;
	s26 =	smov.u32 s28;
	s28 =	smov.u32 s29;
	s29 =	smov.u32 s1;
	v10 =	vld [tilespmem:s0+$0x10];
	v13 =	vadd.f32 v13, v12  }
.Ltmp1:
0xd4: {  	v12 =	vld [tilespmem:s30+$0x10];
	(pc) =	sbr.rel @p0 .LBB2_4-.Ltmp1, $4  }
0xd5: {  	v11 =	vld [tilespmem:s0+$0x20];
	(xrf2) =	vadd.scan.msk.f32 $0xffff, v13  }
0xd6: {  	v13 =	vld [tilespmem:s30+$0x20]  }
0xd7: {  	v14 =	vld [tilespmem:s0+$0x30];
	v17 =	vpop (erf)  }
0xd8: {  	s1 =	sadd.s32 $0x1, s1;
	s0 =	sadd.s32 $0x80, s0;
	v15 =	vld [tilespmem:s30+$0x30];
	[tilespmem:v16+s25+$0x0] =	vst.idx.msk vm0, v17  }
0xd9: {  	_ =	sdelay $0x1  }
0xda: {  	v0 =	vmul.f32 v0, v4;
	v1 =	vmul.f32 v2, v1  }
0xdb: {  	v2 =	vmul.f32 v5, v3;
	v3 =	vmul.f32 v7, v6  }
0xdc: {  	v6 =	vmul.f32 v13, v11;
	v7 =	vmul.f32 v15, v14  }
0xdd: {  	v4 =	vmul.f32 v9, v8;
	v5 =	vmul.f32 v12, v10;
	v0 =	vadd.f32 v1, v0  }
0xde: {  	v1 =	vadd.f32 v3, v2;
	v3 =	vadd.f32 v7, v6  }
0xdf: {  	v2 =	vadd.f32 v5, v4;
	_ =	sdelay $0x1  }
0xe0: {  	v4 =	vpop (erf);
	v0 =	vadd.f32 v1, v0;
	v1 =	vadd.f32 v3, v2  }
0xe1: {  	v2 =	vadd.f32 $1.000000000e+00, v4;
	v3, _, _ =	vpop (xrf2)  }
0xe2: {  	v0 =	vadd.f32 v1, v0;
	v3 =	vmul.f32 $1.442695020e+00, v3  }
0xe3: {  	(erf) = vrcp.f32 v2  }
0xe4: {  	(xrf2) =	vadd.scan.msk.f32 $0xffff, v0;
	(erf) = vpow2.f32 v3;
	_ =	sdelay $0x7  }
0xe5: {  	v0 =	vpop (erf)  }
0xe6: {  	v1 =	vpop (erf)  }
0xe7: {  	v2, _, _ =	vpop (xrf2);
	v1 =	vadd.f32 $1.000000000e+00, v1  }
0xe8: {  	v2 =	vmul.f32 $1.442695020e+00, v2  }
0xe9: {  	(erf) = vrcp.f32 v1  }
0xea: {  	(erf) = vpow2.f32 v2;
	_ =	sdelay $0x7  }
0xeb: {  	v1 =	vpop (erf)  }
0xec: {  	v2 =	vpop (erf)  }
0xed: {  	v2 =	vadd.f32 $1.000000000e+00, v2;
	_ =	sdelay $0x1  }
0xee: {  	(erf) = vrcp.f32 v2;
	_ =	sdelay $0x2  }
0xef: {  	v3 =	vmov s28  }
0xf0: {  	v2 =	vmov s26  }
0xf1: {  	v4 =	vmov s29;
	_ =	sdelay $0x2  }
0xf2: {  	[tilespmem:v3+s25+$0x0] =	vst.idx.msk vm0, v1  }
0xf3: {  	[tilespmem:v2+s25+$0x0] =	vst.idx.msk vm0, v0;
	v0 =	vpop (erf)  }
0xf4: {  	[tilespmem:v4+s25+$0x0] =	vst.idx.msk vm0, v0  }
0xf5: {  	s0 =	simm.s32 $0x140;
	_ =	strace $0x9000004B  }
0xf6: {  	[tilespmem:s14], [sflag:$0x2] =	stream.indirect.gather [hbm4b:s2+s11], $0x80, s0, s11, $0xb8;
	[tilespmem:$0x10600] =	vst v63  }
0xf7: {  	s1 =	simm.s32 $0x340  }
0xf8: {  	[tilespmem:s16], [sflag:$0x2] =	stream.indirect.gather [hbm4b:s2+s11], $0x80, s1, s11, $0xb8;
	[tilespmem:$0x10600] =	vst v63  }
0xf9: {  	_ =	strace $0x8000004C  }
0xfa: {  	_ =	swait.ge [sflag:s31], $0x2000  }
0xfb: {  	[sflag:s31] =	ssyncset.done $0x0  }
0xfc: {  	[sflag:s31] =	ssyncadd.s32 $0xFFFFE000  }
0xfd: {  	_ =	swait.ge [sflag:s31], $0x2000  }
0xfe: {  	[sflag:s31] =	ssyncset.done $0x0  }
0xff: {  	[sflag:s31] =	ssyncadd.s32 $0xFFFFE000  }
0x100: {  	_ =	strace $0x9000004C  }
0x101: {  	s26 =	simm.s32 $0x4440;
	_ =	strace $0x8000004D  }
0x102: {  	s1 =	simm.s32 $0xC440;
	v0 =	vld [tilespmem:s26+$0xFFFFFFC0]  }
0x103: {  	v1 =	vld [tilespmem:s1+$0xFFFFFFC0]  }
0x104: {  	v2 =	vld [tilespmem:s26+$0xFFFFFFD0]  }
0x105: {  	v3 =	vld [tilespmem:s1+$0xFFFFFFD0]  }
0x106: {  	v4 =	vld [tilespmem:s26+$0xFFFFFFE0]  }
0x107: {  	v5 =	vld [tilespmem:s1+$0xFFFFFFE0]  }
0x108: {  	v6 =	vld [tilespmem:s26+$0xFFFFFFF0]  }
0x109: {  	v7 =	vld [tilespmem:s1+$0xFFFFFFF0]  }
0x10a: {  	v8 =	vld [tilespmem:s26+$0x0]  }
0x10b: {  	v9 =	vld [tilespmem:s1+$0x0]  }
0x10c: {  	v10 =	vld [tilespmem:s26+$0x10]  }
0x10d: {  	v11 =	vld [tilespmem:s1+$0x10]  }
0x10e: {  	v12 =	vld [tilespmem:s26+$0x20]  }
0x10f: {  	v13 =	vld [tilespmem:s1+$0x20]  }
0x110: {  	v14 =	vld [tilespmem:s26+$0x30]  }
0x111: {  	v15 =	vld [tilespmem:s1+$0x30];
	s1 =	simm.s32 $0x44C0  }
0x112: {  	s26 =	simm.s32 $0xC4C0;
	v16 =	vld [tilespmem:s1+$0xFFFFFFC0]  }
0x113: {  	v17 =	vld [tilespmem:s26+$0xFFFFFFC0];
	v0 =	vmul.f32 v1, v0;
	v1 =	vmul.f32 v3, v2  }
0x114: {  	v18 =	vld [tilespmem:s1+$0xFFFFFFD0];
	v2 =	vmul.f32 v5, v4;
	v3 =	vmul.f32 v7, v6  }
0x115: {  	v19 =	vld [tilespmem:s26+$0xFFFFFFD0];
	v4 =	vmul.f32 v9, v8;
	v5 =	vmul.f32 v11, v10  }
0x116: {  	v20 =	vld [tilespmem:s1+$0xFFFFFFE0];
	v8 =	vmul.f32 v13, v12;
	v9 =	vmul.f32 v15, v14  }
0x117: {  	v21 =	vld [tilespmem:s26+$0xFFFFFFE0];
	v0 =	vadd.f32 v1, v0;
	v1 =	vadd.f32 v3, v2  }
0x118: {  	v22 =	vld [tilespmem:s1+$0xFFFFFFF0];
	v2 =	vadd.f32 v5, v4;
	v3 =	vadd.f32 v9, v8  }
0x119: {  	v23 =	vld [tilespmem:s26+$0xFFFFFFF0]  }
0x11a: {  	v6 =	vld [tilespmem:s1+$0x0];
	v0 =	vadd.f32 v1, v0;
	v1 =	vadd.f32 v3, v2  }
0x11b: {  	v7 =	vld [tilespmem:s26+$0x0]  }
0x11c: {  	v10 =	vld [tilespmem:s1+$0x10];
	v1 =	vadd.f32 v1, v0  }
0x11d: {  	v11 =	vld [tilespmem:s26+$0x10]  }
0x11e: {  	v12 =	vld [tilespmem:s1+$0x30];
	(xrf2) =	vadd.scan.msk.f32 $0xffff, v1  }
0x11f: {  	v13 =	vld [tilespmem:s26+$0x30]  }
0x120: {  	v8 =	vld [tilespmem:s1+$0x20]  }
0x121: {  	s30 =	simm.s32 $0xC540;
	v9 =	vld [tilespmem:s26+$0x20]  }
0x122: {  	s1 =	simm.s32 $0x4540;
	v5 =	vld [tilespmem:s30+$0xFFFFFFE0]  }
0x123: {  	v14 =	vmul.f32 v17, v16;
	v15 =	vmul.f32 v19, v18;
	v4 =	vld [tilespmem:s1+$0xFFFFFFC0]  }
0x124: {  	v16 =	vmul.f32 v21, v20;
	v17 =	vmul.f32 v23, v22;
	v2 =	vld [tilespmem:s30+$0xFFFFFFD0]  }
0x125: {  	v3 =	vld [tilespmem:s1+$0xFFFFFFE0];
	v63 =	vmul.f32 v7, v6;
	v10 =	vmul.f32 v11, v10  }
0x126: {  	v6 =	vld [tilespmem:s1+$0xFFFFFFF0];
	v11 =	vmul.f32 v13, v12;
	v9 =	vmul.f32 v9, v8  }
0x127: {  	v7 =	vld [tilespmem:s30+$0xFFFFFFF0];
	v12 =	vadd.f32 v15, v14;
	v13 =	vadd.f32 v17, v16  }
0x128: {  	v0 =	vld [tilespmem:s30+$0xFFFFFFC0];
	v14 =	vadd.f32 v10, v63;
	v11 =	vadd.f32 v11, v9;
	v15, _, _ =	vpop (xrf2)  }
0x129: {  	v8 =	vld [tilespmem:s1+$0x0];
	v15 =	vmul.f32 $1.442695020e+00, v15  }
0x12a: {  	v10 =	vld [tilespmem:s1+$0x10];
	v13 =	vadd.f32 v13, v12;
	v14 =	vadd.f32 v11, v14  }
0x12b: {  	v12 =	vld [tilespmem:s30+$0x10];
	(erf) = vpow2.f32 v15  }
0x12c: {  	v1 =	vld [tilespmem:s1+$0xFFFFFFD0];
	v16 =	vadd.f32 v14, v13  }
0x12d: {  	v9 =	vld [tilespmem:s30+$0x0]  }
0x12e: {  	v11 =	vld [tilespmem:s1+$0x20];
	(xrf2) =	vadd.scan.msk.f32 $0xffff, v16  }
0x12f: {  	v13 =	vld [tilespmem:s30+$0x20]  }
0x130: {  	s29 =	simm.s32 $0x82;
	s28 =	simm.s32 $0x81;
	v14 =	vld [tilespmem:s1+$0x30]  }
0x131: {  	s0 =	simm.s32 $0x45C0;
	s26 =	simm.s32 $0x80;
	s1 =	simm.s32 $0x83;
	v15 =	vld [tilespmem:s30+$0x30]  }
.LBB2_6:
0x132: {  	v16 =	vld [tilespmem:s0+$0xFFFFFFC0];
	p0 =	sne.s32 s1, $0xBF;
	s30 =	sadd.s32 $0x80, s30  }
0x133: {  	v4 =	vmul.f32 v0, v4;
	v17 =	vmul.f32 v2, v1;
	v0 =	vld [tilespmem:s30+$0xFFFFFFC0]  }
0x134: {  	v18 =	vmul.f32 v5, v3;
	v6 =	vmul.f32 v7, v6;
	v1 =	vld [tilespmem:s0+$0xFFFFFFD0];
	v3 =	vpop (erf)  }
0x135: {  	v7 =	vmul.f32 v9, v8;
	v19 =	vmul.f32 v12, v10;
	v2 =	vld [tilespmem:s30+$0xFFFFFFD0];
	v9 =	vadd.f32 $1.000000000e+00, v3  }
0x136: {  	v10 =	vmul.f32 v13, v11;
	v3 =	vld [tilespmem:s0+$0xFFFFFFE0];
	v11 =	vmul.f32 v15, v14  }
0x137: {  	v12 =	vadd.f32 v17, v4;
	v13 =	vadd.f32 v6, v18;
	v5 =	vld [tilespmem:s30+$0xFFFFFFE0];
	(erf) = vrcp.f32 v9;
	v4 =	vmovc v16  }
0x138: {  	v9 =	vadd.f32 v19, v7;
	v6 =	vld [tilespmem:s0+$0xFFFFFFF0];
	v10 =	vadd.f32 v11, v10;
	v8, _, _ =	vpop (xrf2)  }
0x139: {  	v7 =	vld [tilespmem:s30+$0xFFFFFFF0];
	v11 =	vmul.f32 $1.442695020e+00, v8  }
0x13a: {  	v12 =	vadd.f32 v13, v12;
	v8 =	vld [tilespmem:s0+$0x0];
	v13 =	vadd.f32 v10, v9  }
0x13b: {  	v9 =	vld [tilespmem:s30+$0x0];
	(erf) = vpow2.f32 v11  }
0x13c: {  	v16 =	vmov s26;
	s26 =	smov.u32 s28;
	s28 =	smov.u32 s29;
	s29 =	smov.u32 s1;
	v10 =	vld [tilespmem:s0+$0x10];
	v13 =	vadd.f32 v13, v12  }
.Ltmp2:
0x13d: {  	v12 =	vld [tilespmem:s30+$0x10];
	(pc) =	sbr.rel @p0 .LBB2_6-.Ltmp2, $4  }
0x13e: {  	v11 =	vld [tilespmem:s0+$0x20];
	(xrf2) =	vadd.scan.msk.f32 $0xffff, v13  }
0x13f: {  	v13 =	vld [tilespmem:s30+$0x20]  }
0x140: {  	v14 =	vld [tilespmem:s0+$0x30];
	v17 =	vpop (erf)  }
0x141: {  	s1 =	sadd.s32 $0x1, s1;
	s0 =	sadd.s32 $0x80, s0;
	v15 =	vld [tilespmem:s30+$0x30];
	[tilespmem:v16+s25+$0x0] =	vst.idx.msk vm0, v17  }
0x142: {  	_ =	sdelay $0x1  }
0x143: {  	v0 =	vmul.f32 v0, v4;
	v1 =	vmul.f32 v2, v1  }
0x144: {  	v2 =	vmul.f32 v5, v3;
	v3 =	vmul.f32 v7, v6  }
0x145: {  	v6 =	vmul.f32 v13, v11;
	v7 =	vmul.f32 v15, v14  }
0x146: {  	v4 =	vmul.f32 v9, v8;
	v5 =	vmul.f32 v12, v10;
	v0 =	vadd.f32 v1, v0  }
0x147: {  	v1 =	vadd.f32 v3, v2;
	v3 =	vadd.f32 v7, v6  }
0x148: {  	v2 =	vadd.f32 v5, v4;
	_ =	sdelay $0x1  }
0x149: {  	v4 =	vpop (erf);
	v0 =	vadd.f32 v1, v0;
	v1 =	vadd.f32 v3, v2  }
0x14a: {  	v2 =	vadd.f32 $1.000000000e+00, v4;
	v3, _, _ =	vpop (xrf2)  }
0x14b: {  	v0 =	vadd.f32 v1, v0;
	v3 =	vmul.f32 $1.442695020e+00, v3  }
0x14c: {  	(erf) = vrcp.f32 v2  }
0x14d: {  	(xrf2) =	vadd.scan.msk.f32 $0xffff, v0;
	(erf) = vpow2.f32 v3;
	_ =	sdelay $0x7  }
0x14e: {  	v0 =	vpop (erf)  }
0x14f: {  	v1 =	vpop (erf)  }
0x150: {  	v2, _, _ =	vpop (xrf2);
	v1 =	vadd.f32 $1.000000000e+00, v1  }
0x151: {  	v2 =	vmul.f32 $1.442695020e+00, v2  }
0x152: {  	(erf) = vrcp.f32 v1  }
0x153: {  	(erf) = vpow2.f32 v2;
	_ =	sdelay $0x7  }
0x154: {  	v1 =	vpop (erf)  }
0x155: {  	v2 =	vpop (erf)  }
0x156: {  	v2 =	vadd.f32 $1.000000000e+00, v2;
	_ =	sdelay $0x1  }
0x157: {  	(erf) = vrcp.f32 v2;
	_ =	sdelay $0x2  }
0x158: {  	v3 =	vmov s28  }
0x159: {  	v2 =	vmov s26  }
0x15a: {  	v4 =	vmov s29;
	_ =	sdelay $0x2  }
0x15b: {  	[tilespmem:v3+s25+$0x0] =	vst.idx.msk vm0, v1  }
0x15c: {  	[tilespmem:v2+s25+$0x0] =	vst.idx.msk vm0, v0;
	v0 =	vpop (erf)  }
0x15d: {  	[tilespmem:v4+s25+$0x0] =	vst.idx.msk vm0, v0  }
0x15e: {  	s0 =	simm.s32 $0x180;
	_ =	strace $0x9000004D  }
0x15f: {  	[tilespmem:s18], [sflag:$0x3] =	stream.indirect.gather [hbm4b:s2+s11], $0x80, s0, s11, $0xb8;
	[tilespmem:$0x10600] =	vst v63  }
0x160: {  	s1 =	simm.s32 $0x380  }
0x161: {  	[tilespmem:s20], [sflag:$0x3] =	stream.indirect.gather [hbm4b:s2+s11], $0x80, s1, s11, $0xb8;
	[tilespmem:$0x10600] =	vst v63  }
0x162: {  	_ =	strace $0x8000004E  }
0x163: {  	_ =	swait.ge [sflag:s15], $0x2000  }
0x164: {  	[sflag:s15] =	ssyncset.done $0x0  }
0x165: {  	[sflag:s15] =	ssyncadd.s32 $0xFFFFE000  }
0x166: {  	_ =	swait.ge [sflag:s15], $0x2000  }
0x167: {  	[sflag:s15] =	ssyncset.done $0x0  }
0x168: {  	[sflag:s15] =	ssyncadd.s32 $0xFFFFE000  }
0x169: {  	_ =	strace $0x9000004E  }
0x16a: {  	s26 =	simm.s32 $0x6440;
	_ =	strace $0x8000004F  }
0x16b: {  	s1 =	simm.s32 $0xE440;
	v0 =	vld [tilespmem:s26+$0xFFFFFFC0]  }
0x16c: {  	v1 =	vld [tilespmem:s1+$0xFFFFFFC0]  }
0x16d: {  	v2 =	vld [tilespmem:s26+$0xFFFFFFD0]  }
0x16e: {  	v3 =	vld [tilespmem:s1+$0xFFFFFFD0]  }
0x16f: {  	v4 =	vld [tilespmem:s26+$0xFFFFFFE0]  }
0x170: {  	v5 =	vld [tilespmem:s1+$0xFFFFFFE0]  }
0x171: {  	v6 =	vld [tilespmem:s26+$0xFFFFFFF0]  }
0x172: {  	v7 =	vld [tilespmem:s1+$0xFFFFFFF0]  }
0x173: {  	v8 =	vld [tilespmem:s26+$0x0]  }
0x174: {  	v9 =	vld [tilespmem:s1+$0x0]  }
0x175: {  	v10 =	vld [tilespmem:s26+$0x10]  }
0x176: {  	v11 =	vld [tilespmem:s1+$0x10]  }
0x177: {  	v12 =	vld [tilespmem:s26+$0x20]  }
0x178: {  	v13 =	vld [tilespmem:s1+$0x20]  }
0x179: {  	v14 =	vld [tilespmem:s26+$0x30]  }
0x17a: {  	v15 =	vld [tilespmem:s1+$0x30];
	s1 =	simm.s32 $0x64C0  }
0x17b: {  	s26 =	simm.s32 $0xE4C0;
	v16 =	vld [tilespmem:s1+$0xFFFFFFC0]  }
0x17c: {  	v17 =	vld [tilespmem:s26+$0xFFFFFFC0];
	v0 =	vmul.f32 v1, v0;
	v1 =	vmul.f32 v3, v2  }
0x17d: {  	v18 =	vld [tilespmem:s1+$0xFFFFFFD0];
	v2 =	vmul.f32 v5, v4;
	v3 =	vmul.f32 v7, v6  }
0x17e: {  	v19 =	vld [tilespmem:s26+$0xFFFFFFD0];
	v4 =	vmul.f32 v9, v8;
	v5 =	vmul.f32 v11, v10  }
0x17f: {  	v20 =	vld [tilespmem:s1+$0xFFFFFFE0];
	v8 =	vmul.f32 v13, v12;
	v9 =	vmul.f32 v15, v14  }
0x180: {  	v21 =	vld [tilespmem:s26+$0xFFFFFFE0];
	v0 =	vadd.f32 v1, v0;
	v1 =	vadd.f32 v3, v2  }
0x181: {  	v22 =	vld [tilespmem:s1+$0xFFFFFFF0];
	v2 =	vadd.f32 v5, v4;
	v3 =	vadd.f32 v9, v8  }
0x182: {  	v23 =	vld [tilespmem:s26+$0xFFFFFFF0]  }
0x183: {  	v6 =	vld [tilespmem:s1+$0x0];
	v0 =	vadd.f32 v1, v0;
	v1 =	vadd.f32 v3, v2  }
0x184: {  	v7 =	vld [tilespmem:s26+$0x0]  }
0x185: {  	v10 =	vld [tilespmem:s1+$0x10];
	v1 =	vadd.f32 v1, v0  }
0x186: {  	v11 =	vld [tilespmem:s26+$0x10]  }
0x187: {  	v12 =	vld [tilespmem:s1+$0x30];
	(xrf2) =	vadd.scan.msk.f32 $0xffff, v1  }
0x188: {  	v13 =	vld [tilespmem:s26+$0x30]  }
0x189: {  	v8 =	vld [tilespmem:s1+$0x20]  }
0x18a: {  	s30 =	simm.s32 $0xE540;
	v9 =	vld [tilespmem:s26+$0x20]  }
0x18b: {  	s1 =	simm.s32 $0x6540;
	v5 =	vld [tilespmem:s30+$0xFFFFFFE0]  }
0x18c: {  	v14 =	vmul.f32 v17, v16;
	v15 =	vmul.f32 v19, v18;
	v4 =	vld [tilespmem:s1+$0xFFFFFFC0]  }
0x18d: {  	v16 =	vmul.f32 v21, v20;
	v17 =	vmul.f32 v23, v22;
	v2 =	vld [tilespmem:s30+$0xFFFFFFD0]  }
0x18e: {  	v3 =	vld [tilespmem:s1+$0xFFFFFFE0];
	v63 =	vmul.f32 v7, v6;
	v10 =	vmul.f32 v11, v10  }
0x18f: {  	v6 =	vld [tilespmem:s1+$0xFFFFFFF0];
	v11 =	vmul.f32 v13, v12;
	v9 =	vmul.f32 v9, v8  }
0x190: {  	v7 =	vld [tilespmem:s30+$0xFFFFFFF0];
	v12 =	vadd.f32 v15, v14;
	v13 =	vadd.f32 v17, v16  }
0x191: {  	v0 =	vld [tilespmem:s30+$0xFFFFFFC0];
	v14 =	vadd.f32 v10, v63;
	v11 =	vadd.f32 v11, v9;
	v15, _, _ =	vpop (xrf2)  }
0x192: {  	v8 =	vld [tilespmem:s1+$0x0];
	v15 =	vmul.f32 $1.442695020e+00, v15  }
0x193: {  	v10 =	vld [tilespmem:s1+$0x10];
	v13 =	vadd.f32 v13, v12;
	v14 =	vadd.f32 v11, v14  }
0x194: {  	v12 =	vld [tilespmem:s30+$0x10];
	(erf) = vpow2.f32 v15  }
0x195: {  	v1 =	vld [tilespmem:s1+$0xFFFFFFD0];
	v16 =	vadd.f32 v14, v13  }
0x196: {  	v9 =	vld [tilespmem:s30+$0x0]  }
0x197: {  	v11 =	vld [tilespmem:s1+$0x20];
	(xrf2) =	vadd.scan.msk.f32 $0xffff, v16  }
0x198: {  	v13 =	vld [tilespmem:s30+$0x20]  }
0x199: {  	s29 =	simm.s32 $0xC2;
	s28 =	simm.s32 $0xC1;
	v14 =	vld [tilespmem:s1+$0x30]  }
0x19a: {  	s0 =	simm.s32 $0x65C0;
	s26 =	simm.s32 $0xC0;
	s1 =	simm.s32 $0xC3;
	v15 =	vld [tilespmem:s30+$0x30]  }
.LBB2_8:
0x19b: {  	v16 =	vld [tilespmem:s0+$0xFFFFFFC0];
	p0 =	sne.s32 s1, $0xFF;
	s30 =	sadd.s32 $0x80, s30  }
0x19c: {  	v4 =	vmul.f32 v0, v4;
	v17 =	vmul.f32 v2, v1;
	v0 =	vld [tilespmem:s30+$0xFFFFFFC0]  }
0x19d: {  	v18 =	vmul.f32 v5, v3;
	v6 =	vmul.f32 v7, v6;
	v1 =	vld [tilespmem:s0+$0xFFFFFFD0];
	v3 =	vpop (erf)  }
0x19e: {  	v7 =	vmul.f32 v9, v8;
	v19 =	vmul.f32 v12, v10;
	v2 =	vld [tilespmem:s30+$0xFFFFFFD0];
	v9 =	vadd.f32 $1.000000000e+00, v3  }
0x19f: {  	v10 =	vmul.f32 v13, v11;
	v3 =	vld [tilespmem:s0+$0xFFFFFFE0];
	v11 =	vmul.f32 v15, v14  }
0x1a0: {  	v12 =	vadd.f32 v17, v4;
	v13 =	vadd.f32 v6, v18;
	v5 =	vld [tilespmem:s30+$0xFFFFFFE0];
	(erf) = vrcp.f32 v9;
	v4 =	vmovc v16  }
0x1a1: {  	v9 =	vadd.f32 v19, v7;
	v6 =	vld [tilespmem:s0+$0xFFFFFFF0];
	v10 =	vadd.f32 v11, v10;
	v8, _, _ =	vpop (xrf2)  }
0x1a2: {  	v7 =	vld [tilespmem:s30+$0xFFFFFFF0];
	v11 =	vmul.f32 $1.442695020e+00, v8  }
0x1a3: {  	v12 =	vadd.f32 v13, v12;
	v8 =	vld [tilespmem:s0+$0x0];
	v13 =	vadd.f32 v10, v9  }
0x1a4: {  	v9 =	vld [tilespmem:s30+$0x0];
	(erf) = vpow2.f32 v11  }
0x1a5: {  	v16 =	vmov s26;
	s26 =	smov.u32 s28;
	s28 =	smov.u32 s29;
	s29 =	smov.u32 s1;
	v10 =	vld [tilespmem:s0+$0x10];
	v13 =	vadd.f32 v13, v12  }
.Ltmp3:
0x1a6: {  	v12 =	vld [tilespmem:s30+$0x10];
	(pc) =	sbr.rel @p0 .LBB2_8-.Ltmp3, $4  }
0x1a7: {  	v11 =	vld [tilespmem:s0+$0x20];
	(xrf2) =	vadd.scan.msk.f32 $0xffff, v13  }
0x1a8: {  	v13 =	vld [tilespmem:s30+$0x20]  }
0x1a9: {  	v14 =	vld [tilespmem:s0+$0x30];
	v17 =	vpop (erf)  }
0x1aa: {  	s1 =	sadd.s32 $0x1, s1;
	s0 =	sadd.s32 $0x80, s0;
	v15 =	vld [tilespmem:s30+$0x30];
	[tilespmem:v16+s25+$0x0] =	vst.idx.msk vm0, v17  }
0x1ab: {  	_ =	sdelay $0x1  }
0x1ac: {  	v0 =	vmul.f32 v0, v4;
	v1 =	vmul.f32 v2, v1  }
0x1ad: {  	v2 =	vmul.f32 v5, v3;
	v3 =	vmul.f32 v7, v6  }
0x1ae: {  	v6 =	vmul.f32 v13, v11;
	v7 =	vmul.f32 v15, v14  }
0x1af: {  	v4 =	vmul.f32 v9, v8;
	v5 =	vmul.f32 v12, v10;
	v0 =	vadd.f32 v1, v0  }
0x1b0: {  	v1 =	vadd.f32 v3, v2;
	v3 =	vadd.f32 v7, v6  }
0x1b1: {  	v2 =	vadd.f32 v5, v4;
	_ =	sdelay $0x1  }
0x1b2: {  	v4 =	vpop (erf);
	v0 =	vadd.f32 v1, v0;
	v1 =	vadd.f32 v3, v2  }
0x1b3: {  	v2 =	vadd.f32 $1.000000000e+00, v4;
	v3, _, _ =	vpop (xrf2)  }
0x1b4: {  	v0 =	vadd.f32 v1, v0;
	v3 =	vmul.f32 $1.442695020e+00, v3  }
0x1b5: {  	(erf) = vrcp.f32 v2  }
0x1b6: {  	(xrf2) =	vadd.scan.msk.f32 $0xffff, v0;
	(erf) = vpow2.f32 v3;
	_ =	sdelay $0x7  }
0x1b7: {  	v0 =	vpop (erf)  }
0x1b8: {  	v1 =	vpop (erf)  }
0x1b9: {  	v2, _, _ =	vpop (xrf2);
	v1 =	vadd.f32 $1.000000000e+00, v1  }
0x1ba: {  	v2 =	vmul.f32 $1.442695020e+00, v2  }
0x1bb: {  	(erf) = vrcp.f32 v1  }
0x1bc: {  	(erf) = vpow2.f32 v2;
	_ =	sdelay $0x7  }
0x1bd: {  	v1 =	vpop (erf)  }
0x1be: {  	v2 =	vpop (erf)  }
0x1bf: {  	v2 =	vadd.f32 $1.000000000e+00, v2;
	_ =	sdelay $0x1  }
0x1c0: {  	(erf) = vrcp.f32 v2;
	_ =	sdelay $0x2  }
0x1c1: {  	v3 =	vmov s28  }
0x1c2: {  	v2 =	vmov s26  }
0x1c3: {  	v4 =	vmov s29;
	_ =	sdelay $0x2  }
0x1c4: {  	[tilespmem:v3+s25+$0x0] =	vst.idx.msk vm0, v1  }
0x1c5: {  	[tilespmem:v2+s25+$0x0] =	vst.idx.msk vm0, v0;
	v0 =	vpop (erf)  }
0x1c6: {  	[tilespmem:v4+s25+$0x0] =	vst.idx.msk vm0, v0  }
0x1c7: {  	_ =	strace $0x9000004F  }
0x1c8: {  	[tilespmem:s22], [sflag:$0x4] =	stream.indirect.gather [hbm4b:s2+s11], $0x80, s17, s11, $0xb8;
	[tilespmem:$0x10600] =	vst v63  }
0x1c9: {  	_ = 	snop  }
0x1ca: {  	[tilespmem:s24], [sflag:$0x4] =	stream.indirect.gather [hbm4b:s2+s11], $0x80, s19, s11, $0xb8;
	[tilespmem:$0x10600] =	vst v63  }
0x1cb: {  	_ =	strace $0x80000050  }
0x1cc: {  	_ =	swait.ge [sflag:s9], $0x2000  }
0x1cd: {  	[sflag:s9] =	ssyncset.done $0x0  }
0x1ce: {  	[sflag:s9] =	ssyncadd.s32 $0xFFFFE000  }
0x1cf: {  	_ =	swait.ge [sflag:s9], $0x2000  }
0x1d0: {  	[sflag:s9] =	ssyncset.done $0x0  }
0x1d1: {  	[sflag:s9] =	ssyncadd.s32 $0xFFFFE000  }
0x1d2: {  	_ =	strace $0x90000050  }
0x1d3: {  	s0 =	simm.s32 $0x440;
	_ =	strace $0x80000051  }
0x1d4: {  	s1 =	simm.s32 $0x8440;
	v0 =	vld [tilespmem:s0+$0xFFFFFFC0]  }
0x1d5: {  	v1 =	vld [tilespmem:s1+$0xFFFFFFC0]  }
0x1d6: {  	v2 =	vld [tilespmem:s0+$0xFFFFFFD0]  }
0x1d7: {  	v3 =	vld [tilespmem:s1+$0xFFFFFFD0]  }
0x1d8: {  	v4 =	vld [tilespmem:s0+$0xFFFFFFE0]  }
0x1d9: {  	v5 =	vld [tilespmem:s1+$0xFFFFFFE0]  }
0x1da: {  	v6 =	vld [tilespmem:s0+$0xFFFFFFF0]  }
0x1db: {  	v7 =	vld [tilespmem:s1+$0xFFFFFFF0]  }
0x1dc: {  	v8 =	vld [tilespmem:s0+$0x0]  }
0x1dd: {  	v9 =	vld [tilespmem:s1+$0x0]  }
0x1de: {  	v10 =	vld [tilespmem:s0+$0x10]  }
0x1df: {  	v11 =	vld [tilespmem:s1+$0x10]  }
0x1e0: {  	v12 =	vld [tilespmem:s0+$0x20]  }
0x1e1: {  	v13 =	vld [tilespmem:s1+$0x20]  }
0x1e2: {  	v14 =	vld [tilespmem:s0+$0x30]  }
0x1e3: {  	s26 =	simm.s32 $0x84C0;
	v15 =	vld [tilespmem:s1+$0x30]  }
0x1e4: {  	v17 =	vld [tilespmem:s26+$0xFFFFFFC0]  }
0x1e5: {  	v19 =	vld [tilespmem:s26+$0xFFFFFFD0];
	v0 =	vmul.f32 v1, v0;
	v1 =	vmul.f32 v3, v2  }
0x1e6: {  	v21 =	vld [tilespmem:s26+$0xFFFFFFE0];
	v2 =	vmul.f32 v5, v4;
	v3 =	vmul.f32 v7, v6  }
0x1e7: {  	s1 =	simm.s32 $0x4C0;
	v23 =	vld [tilespmem:s26+$0xFFFFFFF0];
	v4 =	vmul.f32 v9, v8;
	v5 =	vmul.f32 v11, v10  }
0x1e8: {  	v16 =	vld [tilespmem:s1+$0xFFFFFFC0];
	v8 =	vmul.f32 v13, v12;
	v9 =	vmul.f32 v15, v14  }
0x1e9: {  	v18 =	vld [tilespmem:s1+$0xFFFFFFD0];
	v0 =	vadd.f32 v1, v0;
	v1 =	vadd.f32 v3, v2  }
0x1ea: {  	v20 =	vld [tilespmem:s1+$0xFFFFFFE0];
	v2 =	vadd.f32 v5, v4;
	v3 =	vadd.f32 v9, v8  }
0x1eb: {  	v22 =	vld [tilespmem:s1+$0xFFFFFFF0]  }
0x1ec: {  	v6 =	vld [tilespmem:s1+$0x0];
	v0 =	vadd.f32 v1, v0;
	v1 =	vadd.f32 v3, v2  }
0x1ed: {  	v7 =	vld [tilespmem:s26+$0x0]  }
0x1ee: {  	v10 =	vld [tilespmem:s1+$0x10];
	v1 =	vadd.f32 v1, v0  }
0x1ef: {  	v11 =	vld [tilespmem:s26+$0x10]  }
0x1f0: {  	v12 =	vld [tilespmem:s1+$0x30];
	(xrf2) =	vadd.scan.msk.f32 $0xffff, v1  }
0x1f1: {  	v13 =	vld [tilespmem:s26+$0x30]  }
0x1f2: {  	v8 =	vld [tilespmem:s1+$0x20]  }
0x1f3: {  	s30 =	simm.s32 $0x8540;
	v9 =	vld [tilespmem:s26+$0x20]  }
0x1f4: {  	s1 =	simm.s32 $0x540;
	v5 =	vld [tilespmem:s30+$0xFFFFFFE0]  }
0x1f5: {  	v14 =	vmul.f32 v17, v16;
	v15 =	vmul.f32 v19, v18;
	v4 =	vld [tilespmem:s1+$0xFFFFFFC0]  }
0x1f6: {  	v16 =	vmul.f32 v21, v20;
	v17 =	vmul.f32 v23, v22;
	v2 =	vld [tilespmem:s30+$0xFFFFFFD0]  }
0x1f7: {  	v3 =	vld [tilespmem:s1+$0xFFFFFFE0];
	v63 =	vmul.f32 v7, v6;
	v10 =	vmul.f32 v11, v10  }
0x1f8: {  	v6 =	vld [tilespmem:s1+$0xFFFFFFF0];
	v11 =	vmul.f32 v13, v12;
	v9 =	vmul.f32 v9, v8  }
0x1f9: {  	v7 =	vld [tilespmem:s30+$0xFFFFFFF0];
	v12 =	vadd.f32 v15, v14;
	v13 =	vadd.f32 v17, v16  }
0x1fa: {  	v0 =	vld [tilespmem:s30+$0xFFFFFFC0];
	v14 =	vadd.f32 v10, v63;
	v11 =	vadd.f32 v11, v9;
	v15, _, _ =	vpop (xrf2)  }
0x1fb: {  	v8 =	vld [tilespmem:s1+$0x0];
	v15 =	vmul.f32 $1.442695020e+00, v15  }
0x1fc: {  	v10 =	vld [tilespmem:s1+$0x10];
	v13 =	vadd.f32 v13, v12;
	v14 =	vadd.f32 v11, v14  }
0x1fd: {  	v12 =	vld [tilespmem:s30+$0x10];
	(erf) = vpow2.f32 v15  }
0x1fe: {  	v1 =	vld [tilespmem:s1+$0xFFFFFFD0];
	v16 =	vadd.f32 v14, v13  }
0x1ff: {  	v9 =	vld [tilespmem:s30+$0x0]  }
0x200: {  	v11 =	vld [tilespmem:s1+$0x20];
	(xrf2) =	vadd.scan.msk.f32 $0xffff, v16  }
0x201: {  	v13 =	vld [tilespmem:s30+$0x20]  }
0x202: {  	s29 =	simm.s32 $0x102;
	s28 =	simm.s32 $0x101;
	v14 =	vld [tilespmem:s1+$0x30]  }
0x203: {  	s0 =	simm.s32 $0x5C0;
	s26 =	simm.s32 $0x100;
	s1 =	simm.s32 $0x103;
	v15 =	vld [tilespmem:s30+$0x30]  }
.LBB2_10:
0x204: {  	v16 =	vld [tilespmem:s0+$0xFFFFFFC0];
	p0 =	sne.s32 s1, $0x13F;
	s30 =	sadd.s32 $0x80, s30  }
0x205: {  	v4 =	vmul.f32 v0, v4;
	v17 =	vmul.f32 v2, v1;
	v0 =	vld [tilespmem:s30+$0xFFFFFFC0]  }
0x206: {  	v18 =	vmul.f32 v5, v3;
	v6 =	vmul.f32 v7, v6;
	v1 =	vld [tilespmem:s0+$0xFFFFFFD0];
	v3 =	vpop (erf)  }
0x207: {  	v7 =	vmul.f32 v9, v8;
	v19 =	vmul.f32 v12, v10;
	v2 =	vld [tilespmem:s30+$0xFFFFFFD0];
	v9 =	vadd.f32 $1.000000000e+00, v3  }
0x208: {  	v10 =	vmul.f32 v13, v11;
	v3 =	vld [tilespmem:s0+$0xFFFFFFE0];
	v11 =	vmul.f32 v15, v14  }
0x209: {  	v12 =	vadd.f32 v17, v4;
	v13 =	vadd.f32 v6, v18;
	v5 =	vld [tilespmem:s30+$0xFFFFFFE0];
	(erf) = vrcp.f32 v9;
	v4 =	vmovc v16  }
0x20a: {  	v9 =	vadd.f32 v19, v7;
	v6 =	vld [tilespmem:s0+$0xFFFFFFF0];
	v10 =	vadd.f32 v11, v10;
	v8, _, _ =	vpop (xrf2)  }
0x20b: {  	v7 =	vld [tilespmem:s30+$0xFFFFFFF0];
	v11 =	vmul.f32 $1.442695020e+00, v8  }
0x20c: {  	v12 =	vadd.f32 v13, v12;
	v8 =	vld [tilespmem:s0+$0x0];
	v13 =	vadd.f32 v10, v9  }
0x20d: {  	v9 =	vld [tilespmem:s30+$0x0];
	(erf) = vpow2.f32 v11  }
0x20e: {  	v16 =	vmov s26;
	s26 =	smov.u32 s28;
	s28 =	smov.u32 s29;
	s29 =	smov.u32 s1;
	v10 =	vld [tilespmem:s0+$0x10];
	v13 =	vadd.f32 v13, v12  }
.Ltmp4:
0x20f: {  	v12 =	vld [tilespmem:s30+$0x10];
	(pc) =	sbr.rel @p0 .LBB2_10-.Ltmp4, $4  }
0x210: {  	v11 =	vld [tilespmem:s0+$0x20];
	(xrf2) =	vadd.scan.msk.f32 $0xffff, v13  }
0x211: {  	v13 =	vld [tilespmem:s30+$0x20]  }
0x212: {  	v14 =	vld [tilespmem:s0+$0x30];
	v17 =	vpop (erf)  }
0x213: {  	s1 =	sadd.s32 $0x1, s1;
	s0 =	sadd.s32 $0x80, s0;
	v15 =	vld [tilespmem:s30+$0x30];
	[tilespmem:v16+s25+$0x0] =	vst.idx.msk vm0, v17  }
0x214: {  	_ =	sdelay $0x1  }
0x215: {  	v0 =	vmul.f32 v0, v4;
	v1 =	vmul.f32 v2, v1  }
0x216: {  	v2 =	vmul.f32 v5, v3;
	v3 =	vmul.f32 v7, v6  }
0x217: {  	v6 =	vmul.f32 v13, v11;
	v7 =	vmul.f32 v15, v14  }
0x218: {  	v4 =	vmul.f32 v9, v8;
	v5 =	vmul.f32 v12, v10;
	v0 =	vadd.f32 v1, v0  }
0x219: {  	v1 =	vadd.f32 v3, v2;
	v3 =	vadd.f32 v7, v6  }
0x21a: {  	v2 =	vadd.f32 v5, v4;
	_ =	sdelay $0x1  }
0x21b: {  	v4 =	vpop (erf);
	v0 =	vadd.f32 v1, v0;
	v1 =	vadd.f32 v3, v2  }
0x21c: {  	v2 =	vadd.f32 $1.000000000e+00, v4;
	v3, _, _ =	vpop (xrf2)  }
0x21d: {  	v0 =	vadd.f32 v1, v0;
	v3 =	vmul.f32 $1.442695020e+00, v3  }
0x21e: {  	(erf) = vrcp.f32 v2  }
0x21f: {  	(xrf2) =	vadd.scan.msk.f32 $0xffff, v0;
	(erf) = vpow2.f32 v3;
	_ =	sdelay $0x7  }
0x220: {  	v0 =	vpop (erf)  }
0x221: {  	v1 =	vpop (erf)  }
0x222: {  	v2, _, _ =	vpop (xrf2);
	v1 =	vadd.f32 $1.000000000e+00, v1  }
0x223: {  	v2 =	vmul.f32 $1.442695020e+00, v2  }
0x224: {  	(erf) = vrcp.f32 v1  }
0x225: {  	(erf) = vpow2.f32 v2;
	_ =	sdelay $0x7  }
0x226: {  	v1 =	vpop (erf)  }
0x227: {  	v2 =	vpop (erf)  }
0x228: {  	v2 =	vadd.f32 $1.000000000e+00, v2;
	_ =	sdelay $0x1  }
0x229: {  	(erf) = vrcp.f32 v2;
	_ =	sdelay $0x2  }
0x22a: {  	v3 =	vmov s28  }
0x22b: {  	v2 =	vmov s26  }
0x22c: {  	v4 =	vmov s29;
	_ =	sdelay $0x2  }
0x22d: {  	[tilespmem:v3+s25+$0x0] =	vst.idx.msk vm0, v1  }
0x22e: {  	[tilespmem:v2+s25+$0x0] =	vst.idx.msk vm0, v0;
	v0 =	vpop (erf)  }
0x22f: {  	[tilespmem:v4+s25+$0x0] =	vst.idx.msk vm0, v0  }
0x230: {  	_ =	strace $0x90000051  }
0x231: {  	_ =	strace $0x80000052  }
0x232: {  	_ =	swait.ge [sflag:s10], $0x2000  }
0x233: {  	[sflag:s10] =	ssyncset.done $0x0  }
0x234: {  	[sflag:s10] =	ssyncadd.s32 $0xFFFFE000  }
0x235: {  	_ =	swait.ge [sflag:s10], $0x2000  }
0x236: {  	[sflag:s10] =	ssyncset.done $0x0  }
0x237: {  	[sflag:s10] =	ssyncadd.s32 $0xFFFFE000  }
0x238: {  	_ =	strace $0x90000052  }
0x239: {  	s0 =	simm.s32 $0x2440;
	_ =	strace $0x80000053  }
0x23a: {  	s1 =	simm.s32 $0xA440;
	v0 =	vld [tilespmem:s0+$0xFFFFFFC0]  }
0x23b: {  	v1 =	vld [tilespmem:s1+$0xFFFFFFC0]  }
0x23c: {  	v2 =	vld [tilespmem:s0+$0xFFFFFFD0]  }
0x23d: {  	v3 =	vld [tilespmem:s1+$0xFFFFFFD0]  }
0x23e: {  	v4 =	vld [tilespmem:s0+$0xFFFFFFE0]  }
0x23f: {  	v5 =	vld [tilespmem:s1+$0xFFFFFFE0]  }
0x240: {  	v6 =	vld [tilespmem:s0+$0xFFFFFFF0]  }
0x241: {  	v7 =	vld [tilespmem:s1+$0xFFFFFFF0]  }
0x242: {  	v8 =	vld [tilespmem:s0+$0x0]  }
0x243: {  	v9 =	vld [tilespmem:s1+$0x0]  }
0x244: {  	v10 =	vld [tilespmem:s0+$0x10]  }
0x245: {  	v11 =	vld [tilespmem:s1+$0x10]  }
0x246: {  	v12 =	vld [tilespmem:s0+$0x20]  }
0x247: {  	v13 =	vld [tilespmem:s1+$0x20]  }
0x248: {  	v14 =	vld [tilespmem:s0+$0x30]  }
0x249: {  	s26 =	simm.s32 $0xA4C0;
	v15 =	vld [tilespmem:s1+$0x30]  }
0x24a: {  	v17 =	vld [tilespmem:s26+$0xFFFFFFC0]  }
0x24b: {  	v19 =	vld [tilespmem:s26+$0xFFFFFFD0];
	v0 =	vmul.f32 v1, v0;
	v1 =	vmul.f32 v3, v2  }
0x24c: {  	v21 =	vld [tilespmem:s26+$0xFFFFFFE0];
	v2 =	vmul.f32 v5, v4;
	v3 =	vmul.f32 v7, v6  }
0x24d: {  	s1 =	simm.s32 $0x24C0;
	v23 =	vld [tilespmem:s26+$0xFFFFFFF0];
	v4 =	vmul.f32 v9, v8;
	v5 =	vmul.f32 v11, v10  }
0x24e: {  	v16 =	vld [tilespmem:s1+$0xFFFFFFC0];
	v8 =	vmul.f32 v13, v12;
	v9 =	vmul.f32 v15, v14  }
0x24f: {  	v18 =	vld [tilespmem:s1+$0xFFFFFFD0];
	v0 =	vadd.f32 v1, v0;
	v1 =	vadd.f32 v3, v2  }
0x250: {  	v20 =	vld [tilespmem:s1+$0xFFFFFFE0];
	v2 =	vadd.f32 v5, v4;
	v3 =	vadd.f32 v9, v8  }
0x251: {  	v22 =	vld [tilespmem:s1+$0xFFFFFFF0]  }
0x252: {  	v6 =	vld [tilespmem:s1+$0x0];
	v0 =	vadd.f32 v1, v0;
	v1 =	vadd.f32 v3, v2  }
0x253: {  	v7 =	vld [tilespmem:s26+$0x0]  }
0x254: {  	v10 =	vld [tilespmem:s1+$0x10];
	v1 =	vadd.f32 v1, v0  }
0x255: {  	v11 =	vld [tilespmem:s26+$0x10]  }
0x256: {  	v12 =	vld [tilespmem:s1+$0x30];
	(xrf2) =	vadd.scan.msk.f32 $0xffff, v1  }
0x257: {  	v13 =	vld [tilespmem:s26+$0x30]  }
0x258: {  	v8 =	vld [tilespmem:s1+$0x20]  }
0x259: {  	s30 =	simm.s32 $0xA540;
	v9 =	vld [tilespmem:s26+$0x20]  }
0x25a: {  	s1 =	simm.s32 $0x2540;
	v5 =	vld [tilespmem:s30+$0xFFFFFFE0]  }
0x25b: {  	v14 =	vmul.f32 v17, v16;
	v15 =	vmul.f32 v19, v18;
	v4 =	vld [tilespmem:s1+$0xFFFFFFC0]  }
0x25c: {  	v16 =	vmul.f32 v21, v20;
	v17 =	vmul.f32 v23, v22;
	v2 =	vld [tilespmem:s30+$0xFFFFFFD0]  }
0x25d: {  	v3 =	vld [tilespmem:s1+$0xFFFFFFE0];
	v63 =	vmul.f32 v7, v6;
	v10 =	vmul.f32 v11, v10  }
0x25e: {  	v6 =	vld [tilespmem:s1+$0xFFFFFFF0];
	v11 =	vmul.f32 v13, v12;
	v9 =	vmul.f32 v9, v8  }
0x25f: {  	v7 =	vld [tilespmem:s30+$0xFFFFFFF0];
	v12 =	vadd.f32 v15, v14;
	v13 =	vadd.f32 v17, v16  }
0x260: {  	v0 =	vld [tilespmem:s30+$0xFFFFFFC0];
	v14 =	vadd.f32 v10, v63;
	v11 =	vadd.f32 v11, v9;
	v15, _, _ =	vpop (xrf2)  }
0x261: {  	v8 =	vld [tilespmem:s1+$0x0];
	v15 =	vmul.f32 $1.442695020e+00, v15  }
0x262: {  	v10 =	vld [tilespmem:s1+$0x10];
	v13 =	vadd.f32 v13, v12;
	v14 =	vadd.f32 v11, v14  }
0x263: {  	v12 =	vld [tilespmem:s30+$0x10];
	(erf) = vpow2.f32 v15  }
0x264: {  	v1 =	vld [tilespmem:s1+$0xFFFFFFD0];
	v16 =	vadd.f32 v14, v13  }
0x265: {  	v9 =	vld [tilespmem:s30+$0x0]  }
0x266: {  	v11 =	vld [tilespmem:s1+$0x20];
	(xrf2) =	vadd.scan.msk.f32 $0xffff, v16  }
0x267: {  	v13 =	vld [tilespmem:s30+$0x20]  }
0x268: {  	s29 =	simm.s32 $0x142;
	s28 =	simm.s32 $0x141;
	v14 =	vld [tilespmem:s1+$0x30]  }
0x269: {  	s0 =	simm.s32 $0x25C0;
	s26 =	simm.s32 $0x140;
	s1 =	simm.s32 $0x143;
	v15 =	vld [tilespmem:s30+$0x30]  }
.LBB2_12:
0x26a: {  	v16 =	vld [tilespmem:s0+$0xFFFFFFC0];
	p0 =	sne.s32 s1, $0x17F;
	s30 =	sadd.s32 $0x80, s30  }
0x26b: {  	v4 =	vmul.f32 v0, v4;
	v17 =	vmul.f32 v2, v1;
	v0 =	vld [tilespmem:s30+$0xFFFFFFC0]  }
0x26c: {  	v18 =	vmul.f32 v5, v3;
	v6 =	vmul.f32 v7, v6;
	v1 =	vld [tilespmem:s0+$0xFFFFFFD0];
	v3 =	vpop (erf)  }
0x26d: {  	v7 =	vmul.f32 v9, v8;
	v19 =	vmul.f32 v12, v10;
	v2 =	vld [tilespmem:s30+$0xFFFFFFD0];
	v9 =	vadd.f32 $1.000000000e+00, v3  }
0x26e: {  	v10 =	vmul.f32 v13, v11;
	v3 =	vld [tilespmem:s0+$0xFFFFFFE0];
	v11 =	vmul.f32 v15, v14  }
0x26f: {  	v12 =	vadd.f32 v17, v4;
	v13 =	vadd.f32 v6, v18;
	v5 =	vld [tilespmem:s30+$0xFFFFFFE0];
	(erf) = vrcp.f32 v9;
	v4 =	vmovc v16  }
0x270: {  	v9 =	vadd.f32 v19, v7;
	v6 =	vld [tilespmem:s0+$0xFFFFFFF0];
	v10 =	vadd.f32 v11, v10;
	v8, _, _ =	vpop (xrf2)  }
0x271: {  	v7 =	vld [tilespmem:s30+$0xFFFFFFF0];
	v11 =	vmul.f32 $1.442695020e+00, v8  }
0x272: {  	v12 =	vadd.f32 v13, v12;
	v8 =	vld [tilespmem:s0+$0x0];
	v13 =	vadd.f32 v10, v9  }
0x273: {  	v9 =	vld [tilespmem:s30+$0x0];
	(erf) = vpow2.f32 v11  }
0x274: {  	v16 =	vmov s26;
	s26 =	smov.u32 s28;
	s28 =	smov.u32 s29;
	s29 =	smov.u32 s1;
	v10 =	vld [tilespmem:s0+$0x10];
	v13 =	vadd.f32 v13, v12  }
.Ltmp5:
0x275: {  	v12 =	vld [tilespmem:s30+$0x10];
	(pc) =	sbr.rel @p0 .LBB2_12-.Ltmp5, $4  }
0x276: {  	v11 =	vld [tilespmem:s0+$0x20];
	(xrf2) =	vadd.scan.msk.f32 $0xffff, v13  }
0x277: {  	v13 =	vld [tilespmem:s30+$0x20]  }
0x278: {  	v14 =	vld [tilespmem:s0+$0x30];
	v17 =	vpop (erf)  }
0x279: {  	s1 =	sadd.s32 $0x1, s1;
	s0 =	sadd.s32 $0x80, s0;
	v15 =	vld [tilespmem:s30+$0x30];
	[tilespmem:v16+s25+$0x0] =	vst.idx.msk vm0, v17  }
0x27a: {  	_ =	sdelay $0x1  }
0x27b: {  	v0 =	vmul.f32 v0, v4;
	v1 =	vmul.f32 v2, v1  }
0x27c: {  	v2 =	vmul.f32 v5, v3;
	v3 =	vmul.f32 v7, v6  }
0x27d: {  	v6 =	vmul.f32 v13, v11;
	v7 =	vmul.f32 v15, v14  }
0x27e: {  	v4 =	vmul.f32 v9, v8;
	v5 =	vmul.f32 v12, v10;
	v0 =	vadd.f32 v1, v0  }
0x27f: {  	v1 =	vadd.f32 v3, v2;
	v3 =	vadd.f32 v7, v6  }
0x280: {  	v2 =	vadd.f32 v5, v4;
	_ =	sdelay $0x1  }
0x281: {  	v4 =	vpop (erf);
	v0 =	vadd.f32 v1, v0;
	v1 =	vadd.f32 v3, v2  }
0x282: {  	v2 =	vadd.f32 $1.000000000e+00, v4;
	v3, _, _ =	vpop (xrf2)  }
0x283: {  	v0 =	vadd.f32 v1, v0;
	v3 =	vmul.f32 $1.442695020e+00, v3  }
0x284: {  	(erf) = vrcp.f32 v2  }
0x285: {  	(xrf2) =	vadd.scan.msk.f32 $0xffff, v0;
	(erf) = vpow2.f32 v3;
	_ =	sdelay $0x7  }
0x286: {  	v0 =	vpop (erf)  }
0x287: {  	v1 =	vpop (erf)  }
0x288: {  	v2, _, _ =	vpop (xrf2);
	v1 =	vadd.f32 $1.000000000e+00, v1  }
0x289: {  	v2 =	vmul.f32 $1.442695020e+00, v2  }
0x28a: {  	(erf) = vrcp.f32 v1  }
0x28b: {  	(erf) = vpow2.f32 v2;
	_ =	sdelay $0x7  }
0x28c: {  	v1 =	vpop (erf)  }
0x28d: {  	v2 =	vpop (erf)  }
0x28e: {  	v2 =	vadd.f32 $1.000000000e+00, v2;
	_ =	sdelay $0x1  }
0x28f: {  	(erf) = vrcp.f32 v2;
	_ =	sdelay $0x2  }
0x290: {  	v3 =	vmov s28  }
0x291: {  	v2 =	vmov s26  }
0x292: {  	v4 =	vmov s29;
	_ =	sdelay $0x2  }
0x293: {  	[tilespmem:v3+s25+$0x0] =	vst.idx.msk vm0, v1  }
0x294: {  	[tilespmem:v2+s25+$0x0] =	vst.idx.msk vm0, v0;
	v0 =	vpop (erf)  }
0x295: {  	[tilespmem:v4+s25+$0x0] =	vst.idx.msk vm0, v0  }
0x296: {  	_ =	strace $0x90000053  }
0x297: {  	_ =	strace $0x80000054  }
0x298: {  	_ =	swait.ge [sflag:s31], $0x2000  }
0x299: {  	[sflag:s31] =	ssyncset.done $0x0  }
0x29a: {  	[sflag:s31] =	ssyncadd.s32 $0xFFFFE000  }
0x29b: {  	_ =	swait.ge [sflag:s31], $0x2000  }
0x29c: {  	[sflag:s31] =	ssyncset.done $0x0  }
0x29d: {  	[sflag:s31] =	ssyncadd.s32 $0xFFFFE000  }
0x29e: {  	_ =	strace $0x90000054  }
0x29f: {  	s0 =	simm.s32 $0x4440;
	_ =	strace $0x80000055  }
0x2a0: {  	s1 =	simm.s32 $0xC440;
	v0 =	vld [tilespmem:s0+$0xFFFFFFC0]  }
0x2a1: {  	v1 =	vld [tilespmem:s1+$0xFFFFFFC0]  }
0x2a2: {  	v2 =	vld [tilespmem:s0+$0xFFFFFFD0]  }
0x2a3: {  	v3 =	vld [tilespmem:s1+$0xFFFFFFD0]  }
0x2a4: {  	v4 =	vld [tilespmem:s0+$0xFFFFFFE0]  }
0x2a5: {  	v5 =	vld [tilespmem:s1+$0xFFFFFFE0]  }
0x2a6: {  	v6 =	vld [tilespmem:s0+$0xFFFFFFF0]  }
0x2a7: {  	v7 =	vld [tilespmem:s1+$0xFFFFFFF0]  }
0x2a8: {  	v8 =	vld [tilespmem:s0+$0x0]  }
0x2a9: {  	v9 =	vld [tilespmem:s1+$0x0]  }
0x2aa: {  	v10 =	vld [tilespmem:s0+$0x10]  }
0x2ab: {  	v11 =	vld [tilespmem:s1+$0x10]  }
0x2ac: {  	v12 =	vld [tilespmem:s0+$0x20]  }
0x2ad: {  	v13 =	vld [tilespmem:s1+$0x20]  }
0x2ae: {  	v14 =	vld [tilespmem:s0+$0x30]  }
0x2af: {  	s26 =	simm.s32 $0xC4C0;
	v15 =	vld [tilespmem:s1+$0x30]  }
0x2b0: {  	v17 =	vld [tilespmem:s26+$0xFFFFFFC0]  }
0x2b1: {  	v19 =	vld [tilespmem:s26+$0xFFFFFFD0];
	v0 =	vmul.f32 v1, v0;
	v1 =	vmul.f32 v3, v2  }
0x2b2: {  	v21 =	vld [tilespmem:s26+$0xFFFFFFE0];
	v2 =	vmul.f32 v5, v4;
	v3 =	vmul.f32 v7, v6  }
0x2b3: {  	s1 =	simm.s32 $0x44C0;
	v23 =	vld [tilespmem:s26+$0xFFFFFFF0];
	v4 =	vmul.f32 v9, v8;
	v5 =	vmul.f32 v11, v10  }
0x2b4: {  	v16 =	vld [tilespmem:s1+$0xFFFFFFC0];
	v8 =	vmul.f32 v13, v12;
	v9 =	vmul.f32 v15, v14  }
0x2b5: {  	v18 =	vld [tilespmem:s1+$0xFFFFFFD0];
	v0 =	vadd.f32 v1, v0;
	v1 =	vadd.f32 v3, v2  }
0x2b6: {  	v20 =	vld [tilespmem:s1+$0xFFFFFFE0];
	v2 =	vadd.f32 v5, v4;
	v3 =	vadd.f32 v9, v8  }
0x2b7: {  	v22 =	vld [tilespmem:s1+$0xFFFFFFF0]  }
0x2b8: {  	v6 =	vld [tilespmem:s1+$0x0];
	v0 =	vadd.f32 v1, v0;
	v1 =	vadd.f32 v3, v2  }
0x2b9: {  	v7 =	vld [tilespmem:s26+$0x0]  }
0x2ba: {  	v10 =	vld [tilespmem:s1+$0x10];
	v1 =	vadd.f32 v1, v0  }
0x2bb: {  	v11 =	vld [tilespmem:s26+$0x10]  }
0x2bc: {  	v12 =	vld [tilespmem:s1+$0x30];
	(xrf2) =	vadd.scan.msk.f32 $0xffff, v1  }
0x2bd: {  	v13 =	vld [tilespmem:s26+$0x30]  }
0x2be: {  	v8 =	vld [tilespmem:s1+$0x20]  }
0x2bf: {  	s30 =	simm.s32 $0xC540;
	v9 =	vld [tilespmem:s26+$0x20]  }
0x2c0: {  	s1 =	simm.s32 $0x4540;
	v5 =	vld [tilespmem:s30+$0xFFFFFFE0]  }
0x2c1: {  	v14 =	vmul.f32 v17, v16;
	v15 =	vmul.f32 v19, v18;
	v4 =	vld [tilespmem:s1+$0xFFFFFFC0]  }
0x2c2: {  	v16 =	vmul.f32 v21, v20;
	v17 =	vmul.f32 v23, v22;
	v2 =	vld [tilespmem:s30+$0xFFFFFFD0]  }
0x2c3: {  	v3 =	vld [tilespmem:s1+$0xFFFFFFE0];
	v63 =	vmul.f32 v7, v6;
	v10 =	vmul.f32 v11, v10  }
0x2c4: {  	v6 =	vld [tilespmem:s1+$0xFFFFFFF0];
	v11 =	vmul.f32 v13, v12;
	v9 =	vmul.f32 v9, v8  }
0x2c5: {  	v7 =	vld [tilespmem:s30+$0xFFFFFFF0];
	v12 =	vadd.f32 v15, v14;
	v13 =	vadd.f32 v17, v16  }
0x2c6: {  	v0 =	vld [tilespmem:s30+$0xFFFFFFC0];
	v14 =	vadd.f32 v10, v63;
	v11 =	vadd.f32 v11, v9;
	v15, _, _ =	vpop (xrf2)  }
0x2c7: {  	v8 =	vld [tilespmem:s1+$0x0];
	v15 =	vmul.f32 $1.442695020e+00, v15  }
0x2c8: {  	v10 =	vld [tilespmem:s1+$0x10];
	v13 =	vadd.f32 v13, v12;
	v14 =	vadd.f32 v11, v14  }
0x2c9: {  	v12 =	vld [tilespmem:s30+$0x10];
	(erf) = vpow2.f32 v15  }
0x2ca: {  	v1 =	vld [tilespmem:s1+$0xFFFFFFD0];
	v16 =	vadd.f32 v14, v13  }
0x2cb: {  	v9 =	vld [tilespmem:s30+$0x0]  }
0x2cc: {  	v11 =	vld [tilespmem:s1+$0x20];
	(xrf2) =	vadd.scan.msk.f32 $0xffff, v16  }
0x2cd: {  	v13 =	vld [tilespmem:s30+$0x20]  }
0x2ce: {  	s29 =	simm.s32 $0x182;
	s28 =	simm.s32 $0x181;
	v14 =	vld [tilespmem:s1+$0x30]  }
0x2cf: {  	s0 =	simm.s32 $0x45C0;
	s26 =	simm.s32 $0x180;
	s1 =	simm.s32 $0x183;
	v15 =	vld [tilespmem:s30+$0x30]  }
.LBB2_14:
0x2d0: {  	v16 =	vld [tilespmem:s0+$0xFFFFFFC0];
	p0 =	sne.s32 s1, $0x1BF;
	s30 =	sadd.s32 $0x80, s30  }
0x2d1: {  	v4 =	vmul.f32 v0, v4;
	v17 =	vmul.f32 v2, v1;
	v0 =	vld [tilespmem:s30+$0xFFFFFFC0]  }
0x2d2: {  	v18 =	vmul.f32 v5, v3;
	v6 =	vmul.f32 v7, v6;
	v1 =	vld [tilespmem:s0+$0xFFFFFFD0];
	v3 =	vpop (erf)  }
0x2d3: {  	v7 =	vmul.f32 v9, v8;
	v19 =	vmul.f32 v12, v10;
	v2 =	vld [tilespmem:s30+$0xFFFFFFD0];
	v9 =	vadd.f32 $1.000000000e+00, v3  }
0x2d4: {  	v10 =	vmul.f32 v13, v11;
	v3 =	vld [tilespmem:s0+$0xFFFFFFE0];
	v11 =	vmul.f32 v15, v14  }
0x2d5: {  	v12 =	vadd.f32 v17, v4;
	v13 =	vadd.f32 v6, v18;
	v5 =	vld [tilespmem:s30+$0xFFFFFFE0];
	(erf) = vrcp.f32 v9;
	v4 =	vmovc v16  }
0x2d6: {  	v9 =	vadd.f32 v19, v7;
	v6 =	vld [tilespmem:s0+$0xFFFFFFF0];
	v10 =	vadd.f32 v11, v10;
	v8, _, _ =	vpop (xrf2)  }
0x2d7: {  	v7 =	vld [tilespmem:s30+$0xFFFFFFF0];
	v11 =	vmul.f32 $1.442695020e+00, v8  }
0x2d8: {  	v12 =	vadd.f32 v13, v12;
	v8 =	vld [tilespmem:s0+$0x0];
	v13 =	vadd.f32 v10, v9  }
0x2d9: {  	v9 =	vld [tilespmem:s30+$0x0];
	(erf) = vpow2.f32 v11  }
0x2da: {  	v16 =	vmov s26;
	s26 =	smov.u32 s28;
	s28 =	smov.u32 s29;
	s29 =	smov.u32 s1;
	v10 =	vld [tilespmem:s0+$0x10];
	v13 =	vadd.f32 v13, v12  }
.Ltmp6:
0x2db: {  	v12 =	vld [tilespmem:s30+$0x10];
	(pc) =	sbr.rel @p0 .LBB2_14-.Ltmp6, $4  }
0x2dc: {  	v11 =	vld [tilespmem:s0+$0x20];
	(xrf2) =	vadd.scan.msk.f32 $0xffff, v13  }
0x2dd: {  	v13 =	vld [tilespmem:s30+$0x20]  }
0x2de: {  	v14 =	vld [tilespmem:s0+$0x30];
	v17 =	vpop (erf)  }
0x2df: {  	s1 =	sadd.s32 $0x1, s1;
	s0 =	sadd.s32 $0x80, s0;
	v15 =	vld [tilespmem:s30+$0x30];
	[tilespmem:v16+s25+$0x0] =	vst.idx.msk vm0, v17  }
0x2e0: {  	_ =	sdelay $0x1  }
0x2e1: {  	v0 =	vmul.f32 v0, v4;
	v1 =	vmul.f32 v2, v1  }
0x2e2: {  	v2 =	vmul.f32 v5, v3;
	v3 =	vmul.f32 v7, v6  }
0x2e3: {  	v6 =	vmul.f32 v13, v11;
	v7 =	vmul.f32 v15, v14  }
0x2e4: {  	v4 =	vmul.f32 v9, v8;
	v5 =	vmul.f32 v12, v10;
	v0 =	vadd.f32 v1, v0  }
0x2e5: {  	v1 =	vadd.f32 v3, v2;
	v3 =	vadd.f32 v7, v6  }
0x2e6: {  	v2 =	vadd.f32 v5, v4;
	_ =	sdelay $0x1  }
0x2e7: {  	v4 =	vpop (erf);
	v0 =	vadd.f32 v1, v0;
	v1 =	vadd.f32 v3, v2  }
0x2e8: {  	v2 =	vadd.f32 $1.000000000e+00, v4;
	v3, _, _ =	vpop (xrf2)  }
0x2e9: {  	v0 =	vadd.f32 v1, v0;
	v3 =	vmul.f32 $1.442695020e+00, v3  }
0x2ea: {  	(erf) = vrcp.f32 v2  }
0x2eb: {  	(xrf2) =	vadd.scan.msk.f32 $0xffff, v0;
	(erf) = vpow2.f32 v3;
	_ =	sdelay $0x7  }
0x2ec: {  	v0 =	vpop (erf)  }
0x2ed: {  	v1 =	vpop (erf)  }
0x2ee: {  	v2, _, _ =	vpop (xrf2);
	v1 =	vadd.f32 $1.000000000e+00, v1  }
0x2ef: {  	v2 =	vmul.f32 $1.442695020e+00, v2  }
0x2f0: {  	(erf) = vrcp.f32 v1  }
0x2f1: {  	(erf) = vpow2.f32 v2;
	_ =	sdelay $0x7  }
0x2f2: {  	v1 =	vpop (erf)  }
0x2f3: {  	v2 =	vpop (erf)  }
0x2f4: {  	v2 =	vadd.f32 $1.000000000e+00, v2;
	_ =	sdelay $0x1  }
0x2f5: {  	(erf) = vrcp.f32 v2;
	_ =	sdelay $0x2  }
0x2f6: {  	v3 =	vmov s28  }
0x2f7: {  	v2 =	vmov s26  }
0x2f8: {  	v4 =	vmov s29;
	_ =	sdelay $0x2  }
0x2f9: {  	[tilespmem:v3+s25+$0x0] =	vst.idx.msk vm0, v1  }
0x2fa: {  	[tilespmem:v2+s25+$0x0] =	vst.idx.msk vm0, v0;
	v0 =	vpop (erf)  }
0x2fb: {  	[tilespmem:v4+s25+$0x0] =	vst.idx.msk vm0, v0  }
0x2fc: {  	_ =	strace $0x90000055  }
0x2fd: {  	_ =	strace $0x80000056  }
0x2fe: {  	_ =	swait.ge [sflag:s15], $0x2000  }
0x2ff: {  	[sflag:s15] =	ssyncset.done $0x0  }
0x300: {  	[sflag:s15] =	ssyncadd.s32 $0xFFFFE000  }
0x301: {  	_ =	swait.ge [sflag:s15], $0x2000  }
0x302: {  	[sflag:s15] =	ssyncset.done $0x0  }
0x303: {  	[sflag:s15] =	ssyncadd.s32 $0xFFFFE000  }
0x304: {  	_ =	strace $0x90000056  }
0x305: {  	s0 =	simm.s32 $0x6440;
	_ =	strace $0x80000057  }
0x306: {  	s1 =	simm.s32 $0xE440;
	v0 =	vld [tilespmem:s0+$0xFFFFFFC0]  }
0x307: {  	v1 =	vld [tilespmem:s1+$0xFFFFFFC0]  }
0x308: {  	v2 =	vld [tilespmem:s0+$0xFFFFFFD0]  }
0x309: {  	v3 =	vld [tilespmem:s1+$0xFFFFFFD0]  }
0x30a: {  	v4 =	vld [tilespmem:s0+$0xFFFFFFE0]  }
0x30b: {  	v5 =	vld [tilespmem:s1+$0xFFFFFFE0]  }
0x30c: {  	v6 =	vld [tilespmem:s0+$0xFFFFFFF0]  }
0x30d: {  	v7 =	vld [tilespmem:s1+$0xFFFFFFF0]  }
0x30e: {  	v8 =	vld [tilespmem:s0+$0x0]  }
0x30f: {  	v9 =	vld [tilespmem:s1+$0x0]  }
0x310: {  	v10 =	vld [tilespmem:s0+$0x10]  }
0x311: {  	v11 =	vld [tilespmem:s1+$0x10]  }
0x312: {  	v12 =	vld [tilespmem:s0+$0x20]  }
0x313: {  	v13 =	vld [tilespmem:s1+$0x20]  }
0x314: {  	v14 =	vld [tilespmem:s0+$0x30]  }
0x315: {  	s26 =	simm.s32 $0xE4C0;
	v15 =	vld [tilespmem:s1+$0x30]  }
0x316: {  	v17 =	vld [tilespmem:s26+$0xFFFFFFC0]  }
0x317: {  	v19 =	vld [tilespmem:s26+$0xFFFFFFD0];
	v0 =	vmul.f32 v1, v0;
	v1 =	vmul.f32 v3, v2  }
0x318: {  	v21 =	vld [tilespmem:s26+$0xFFFFFFE0];
	v2 =	vmul.f32 v5, v4;
	v3 =	vmul.f32 v7, v6  }
0x319: {  	s1 =	simm.s32 $0x64C0;
	v23 =	vld [tilespmem:s26+$0xFFFFFFF0];
	v4 =	vmul.f32 v9, v8;
	v5 =	vmul.f32 v11, v10  }
0x31a: {  	v16 =	vld [tilespmem:s1+$0xFFFFFFC0];
	v8 =	vmul.f32 v13, v12;
	v9 =	vmul.f32 v15, v14  }
0x31b: {  	v18 =	vld [tilespmem:s1+$0xFFFFFFD0];
	v0 =	vadd.f32 v1, v0;
	v1 =	vadd.f32 v3, v2  }
0x31c: {  	v20 =	vld [tilespmem:s1+$0xFFFFFFE0];
	v2 =	vadd.f32 v5, v4;
	v3 =	vadd.f32 v9, v8  }
0x31d: {  	v22 =	vld [tilespmem:s1+$0xFFFFFFF0]  }
0x31e: {  	v6 =	vld [tilespmem:s1+$0x0];
	v0 =	vadd.f32 v1, v0;
	v1 =	vadd.f32 v3, v2  }
0x31f: {  	v7 =	vld [tilespmem:s26+$0x0]  }
0x320: {  	v10 =	vld [tilespmem:s1+$0x10];
	v1 =	vadd.f32 v1, v0  }
0x321: {  	v11 =	vld [tilespmem:s26+$0x10]  }
0x322: {  	v12 =	vld [tilespmem:s1+$0x30];
	(xrf2) =	vadd.scan.msk.f32 $0xffff, v1  }
0x323: {  	v13 =	vld [tilespmem:s26+$0x30]  }
0x324: {  	v8 =	vld [tilespmem:s1+$0x20]  }
0x325: {  	s30 =	simm.s32 $0xE540;
	v9 =	vld [tilespmem:s26+$0x20]  }
0x326: {  	s1 =	simm.s32 $0x6540;
	v5 =	vld [tilespmem:s30+$0xFFFFFFE0]  }
0x327: {  	v14 =	vmul.f32 v17, v16;
	v15 =	vmul.f32 v19, v18;
	v4 =	vld [tilespmem:s1+$0xFFFFFFC0]  }
0x328: {  	v16 =	vmul.f32 v21, v20;
	v17 =	vmul.f32 v23, v22;
	v2 =	vld [tilespmem:s30+$0xFFFFFFD0]  }
0x329: {  	v3 =	vld [tilespmem:s1+$0xFFFFFFE0];
	v63 =	vmul.f32 v7, v6;
	v10 =	vmul.f32 v11, v10  }
0x32a: {  	v6 =	vld [tilespmem:s1+$0xFFFFFFF0];
	v11 =	vmul.f32 v13, v12;
	v9 =	vmul.f32 v9, v8  }
0x32b: {  	v7 =	vld [tilespmem:s30+$0xFFFFFFF0];
	v12 =	vadd.f32 v15, v14;
	v13 =	vadd.f32 v17, v16  }
0x32c: {  	v0 =	vld [tilespmem:s30+$0xFFFFFFC0];
	v14 =	vadd.f32 v10, v63;
	v11 =	vadd.f32 v11, v9;
	v15, _, _ =	vpop (xrf2)  }
0x32d: {  	v8 =	vld [tilespmem:s1+$0x0];
	v15 =	vmul.f32 $1.442695020e+00, v15  }
0x32e: {  	v10 =	vld [tilespmem:s1+$0x10];
	v13 =	vadd.f32 v13, v12;
	v14 =	vadd.f32 v11, v14  }
0x32f: {  	v12 =	vld [tilespmem:s30+$0x10];
	(erf) = vpow2.f32 v15  }
0x330: {  	v1 =	vld [tilespmem:s1+$0xFFFFFFD0];
	v16 =	vadd.f32 v14, v13  }
0x331: {  	v9 =	vld [tilespmem:s30+$0x0]  }
0x332: {  	v11 =	vld [tilespmem:s1+$0x20];
	(xrf2) =	vadd.scan.msk.f32 $0xffff, v16  }
0x333: {  	v13 =	vld [tilespmem:s30+$0x20]  }
0x334: {  	s29 =	simm.s32 $0x1C2;
	s28 =	simm.s32 $0x1C1;
	v14 =	vld [tilespmem:s1+$0x30]  }
0x335: {  	s0 =	simm.s32 $0x65C0;
	s26 =	simm.s32 $0x1C0;
	s1 =	simm.s32 $0x1C3;
	v15 =	vld [tilespmem:s30+$0x30]  }
.LBB2_16:
0x336: {  	v16 =	vld [tilespmem:s0+$0xFFFFFFC0];
	p0 =	sne.s32 s1, $0x1FF;
	s30 =	sadd.s32 $0x80, s30  }
0x337: {  	v4 =	vmul.f32 v0, v4;
	v17 =	vmul.f32 v2, v1;
	v0 =	vld [tilespmem:s30+$0xFFFFFFC0]  }
0x338: {  	v18 =	vmul.f32 v5, v3;
	v6 =	vmul.f32 v7, v6;
	v1 =	vld [tilespmem:s0+$0xFFFFFFD0];
	v3 =	vpop (erf)  }
0x339: {  	v7 =	vmul.f32 v9, v8;
	v19 =	vmul.f32 v12, v10;
	v2 =	vld [tilespmem:s30+$0xFFFFFFD0];
	v9 =	vadd.f32 $1.000000000e+00, v3  }
0x33a: {  	v10 =	vmul.f32 v13, v11;
	v3 =	vld [tilespmem:s0+$0xFFFFFFE0];
	v11 =	vmul.f32 v15, v14  }
0x33b: {  	v12 =	vadd.f32 v17, v4;
	v13 =	vadd.f32 v6, v18;
	v5 =	vld [tilespmem:s30+$0xFFFFFFE0];
	(erf) = vrcp.f32 v9;
	v4 =	vmovc v16  }
0x33c: {  	v9 =	vadd.f32 v19, v7;
	v6 =	vld [tilespmem:s0+$0xFFFFFFF0];
	v10 =	vadd.f32 v11, v10;
	v8, _, _ =	vpop (xrf2)  }
0x33d: {  	v7 =	vld [tilespmem:s30+$0xFFFFFFF0];
	v11 =	vmul.f32 $1.442695020e+00, v8  }
0x33e: {  	v12 =	vadd.f32 v13, v12;
	v8 =	vld [tilespmem:s0+$0x0];
	v13 =	vadd.f32 v10, v9  }
0x33f: {  	v9 =	vld [tilespmem:s30+$0x0];
	(erf) = vpow2.f32 v11  }
0x340: {  	v16 =	vmov s26;
	s26 =	smov.u32 s28;
	s28 =	smov.u32 s29;
	s29 =	smov.u32 s1;
	v10 =	vld [tilespmem:s0+$0x10];
	v13 =	vadd.f32 v13, v12  }
.Ltmp7:
0x341: {  	v12 =	vld [tilespmem:s30+$0x10];
	(pc) =	sbr.rel @p0 .LBB2_16-.Ltmp7, $4  }
0x342: {  	v11 =	vld [tilespmem:s0+$0x20];
	(xrf2) =	vadd.scan.msk.f32 $0xffff, v13  }
0x343: {  	v13 =	vld [tilespmem:s30+$0x20]  }
0x344: {  	v14 =	vld [tilespmem:s0+$0x30];
	v17 =	vpop (erf)  }
0x345: {  	s1 =	sadd.s32 $0x1, s1;
	s0 =	sadd.s32 $0x80, s0;
	v15 =	vld [tilespmem:s30+$0x30];
	[tilespmem:v16+s25+$0x0] =	vst.idx.msk vm0, v17  }
0x346: {  	_ = 	snop  }
0x347: {  	v0 =	vmul.f32 v0, v4;
	v1 =	vmul.f32 v2, v1  }
0x348: {  	v44 =	vmul.f32 v5, v3;
	v45 =	vmul.f32 v7, v6  }
0x349: {  	v46 =	vmul.f32 v9, v8;
	v47 =	vmul.f32 v12, v10  }
0x34a: {  	v48 =	vmul.f32 v13, v11;
	v49 =	vmul.f32 v15, v14  }
0x34b: {  	v0 =	vadd.f32 v1, v0;
	v50 =	vadd.f32 v45, v44  }
0x34c: {  	v51 =	vadd.f32 v47, v46;
	v52 =	vadd.f32 v49, v48;
	_ =	sdelay $0x1  }
0x34d: {  	v53 =	vpop (erf);
	v0 =	vadd.f32 v50, v0;
	v54 =	vadd.f32 v52, v51  }
0x34e: {  	v55 =	vadd.f32 $1.000000000e+00, v53;
	v56, _, _ =	vpop (xrf2)  }
0x34f: {  	v3 =	vmul.f32 $1.442695020e+00, v56;
	v0 =	vadd.f32 v54, v0  }
0x350: {  	(erf) = vrcp.f32 v55  }
0x351: {  	(erf) = vpow2.f32 v3;
	(xrf2) =	vadd.scan.msk.f32 $0xffff, v0;
	_ =	sdelay $0x7  }
0x352: {  	v57 =	vpop (erf)  }
0x353: {  	v58 =	vpop (erf)  }
0x354: {  	v1 =	vadd.f32 $1.000000000e+00, v58;
	v59, _, _ =	vpop (xrf2)  }
0x355: {  	v2 =	vmul.f32 $1.442695020e+00, v59  }
0x356: {  	(erf) = vrcp.f32 v1  }
0x357: {  	(erf) = vpow2.f32 v2;
	_ =	sdelay $0x7  }
0x358: {  	v1 =	vpop (erf)  }
0x359: {  	v2 =	vpop (erf)  }
0x35a: {  	v2 =	vadd.f32 $1.000000000e+00, v2;
	_ =	sdelay $0x1  }
0x35b: {  	(erf) = vrcp.f32 v2;
	_ =	sdelay $0x2  }
0x35c: {  	v60 =	vmov s26  }
0x35d: {  	v61 =	vmov s28  }
0x35e: {  	v62 =	vmov s29;
	_ =	sdelay $0x2  }
0x35f: {  	[tilespmem:v60+s25+$0x0] =	vst.idx.msk vm0, v57  }
0x360: {  	s23 =	sadd.s32 $0x1, s23;
	[tilespmem:v61+s25+$0x0] =	vst.idx.msk vm0, v1;
	v63 =	vpop (erf)  }
0x361: {  	p0 =	sne.s32 s23, s7;
	[tilespmem:v62+s25+$0x0] =	vst.idx.msk vm0, v63  }
.Ltmp8:
0x362: {  	_ =	strace $0x90000057;
	(pc) =	sbr.rel @p0 .LBB2_1-.Ltmp8, $4  }
0x363: {  	[hbm4b:s6+s3] =	stream.linear.scatter [tilespmem:s25], [sflag:$0x5], $0x200, $0x38;
	[tilespmem:$0x10600] =	vst v63  }
0x364: {  	_ =	swait.ge [sflag:s21], $0x200  }
0x365: {  	[sflag:s21] =	ssyncset.done $0x0  }
0x366: {  	[sflag:s21] =	ssyncadd.s32 $0xFFFFFE00  }
0x367: {  	_ =	sfence.sel $0x180000  }
0x368: {  	[bflag:$0x0] =	sbarrier.arrive $0xFFFF  }
0x369: {  	_ =	strace $0x90000047  }
0x36a: {  	s0 =	stileid.u32;
	[bflag:$0x2] =	sbarrier.arrive $0xFFFF  }
0x36b: {  	p0 =	sne.s32 s0, $0x0;
	s0 =	rddreg [dreg:$0x3]  }
0x36c: {  	s0 =	sadd.s32 @!p0 $0x100000, s0  }
0x36d: {  	[sflag:s0] =	ssyncadd.tile.s32 @!p0 $0x1;
	_ =	shalt  }
.Lfunc_end2:
_tile_overlayer_lowered:
.L_overlay_start_2:
0x36e: {  	(tag) =	ssettag $0x2  }
0x36f: {  	s0 =	rddreg [dreg:$0x0];
	s2 =	stileid.u32  }
0x370: {  	s1 =	rddreg [dreg:$0x1];
	p0 =	sne.s32 s2, $0x0  }
0x371: {  	s3 =	rddreg [dreg:$0x2];
	[bflag:$0x3] =	sbarrier.arrive $0xFFFF;
	s2 =	simm.s32 @!p0 $0x1C05  }
0x372: {  	[timem:s3], [sflag:s2] =	dma.local @!p0 [hbm:s0], s1  }
0x373: {  	s0 =	simm.s32 @!p0 $0x5  }
0x374: {  	_ =	swait.ge @!p0 [sflag:s0], s1  }
0x375: {  	s1 =	ssub.s32 @!p0 $0x0, s1;
	[sflag:s0] =	ssyncset.done @!p0 $0x0  }
0x376: {  	[sflag:s0] =	ssyncadd.s32 @!p0 s1  }
0x377: {  	[bflag:$0x3] =	sbarrier.arrive $0xFFFF  }
0x378: {  	_ =	shalt  }

</sc_bundles>
